<compile_context>
chip_gen: v7x
topology: tpu7x:2x2x1
jax: 0.10.2.dev20260603
libtpu: 0.0.44.dev20260713+nightly
codegen_flags: <defaults>
</compile_context>

<pallas_src>
import functools

import numpy as np
import jax
import jax.numpy as jnp
from jax import lax
from jax.experimental import pallas as pl
from jax.experimental.pallas import tpu as pltpu
from jax.experimental.pallas import tpu_sc as plsc

R = 48
N_POINTS = 100000
RADIUS = 1.0
H = 2.0 / (R - 1)
NB = 4 * (R - 1)
LAM = 0.9965
NIT = 96

NC, NS = 2, 16
NW = NC * NS
CHUNK = 3136
LAST_PTS = N_POINTS - (NW - 1) * CHUNK
GROUPS = CHUNK // 16
LAST_GROUPS = LAST_PTS // 16

NE = 13442
ROWLEN = 142
FWD_LAST = 6674


def _m_E(j):
    return 0 if j == 0 else 3 * j - 1


def _m_P(j):
    return 3 * j if j < 47 else 140


def _m_N(j):
    return 1 if j == 0 else (3 * j + 1 if j < 47 else 141)


def _mesh_constants():
    S_E = np.zeros((256, 128), np.float32)
    S_P = np.zeros((256, 128), np.float32)
    S_N = np.zeros((256, 128), np.float32)
    S_W = np.zeros((256, 128), np.float32)
    S_Q = np.zeros((256, 128), np.float32)
    S_S = np.zeros((256, 128), np.float32)
    for off in (0, 64):
        for j in range(0, 47):
            S_E[_m_E(j), off + j] = 1.0
        for j in range(1, 48):
            S_P[_m_P(j), off + j] = 1.0
        for j in range(0, 48):
            S_N[_m_N(j), off + j] = 1.0
        for jp in range(1, 48):
            S_W[_m_E(jp - 1), off + jp] = 1.0
        for j in range(1, 48):
            S_Q[_m_P(j), off + j - 1] = 1.0
        for j in range(0, 48):
            S_S[_m_N(j), off + j] = 1.0

    bottom = np.arange(R)
    right = np.arange(1, R) * R + (R - 1)
    top = (R - 1) * R + np.arange(R - 2, -1, -1)
    left = np.arange(R - 2, 0, -1) * R
    bound_verts = np.concatenate([bottom, right, top, left])

    LM = np.zeros((R, 256), dtype=np.float32)
    CMX = np.zeros((256, 128), dtype=np.float32)
    CMY = np.zeros((256, 128), dtype=np.float32)
    for k in range(NB):
        bi, bj = bound_verts[k] // R, bound_verts[k] % R
        LM[bi, k] = 1.0
        CMX[k, bj] = 1.0
        CMY[k, 64 + bj] = 1.0

    LTC = np.zeros((256, 256), dtype=np.float32)
    for k in range(NB):
        LTC[k, : k + 1] = 1.0
    TOT = np.zeros((8, 256), dtype=np.float32)
    TOT[0, :NB] = 1.0

    MASK = np.zeros((R, 128), dtype=np.float32)
    MASK[1:R - 1, 1:R - 1] = 1.0
    MASK[1:R - 1, 65:64 + R - 1] = 1.0

    al = (np.arange(R, dtype=np.float32) / (R - 1))[:, None]
    AL = np.broadcast_to(al, (R, 128)).copy()
    be_row = np.zeros(128, dtype=np.float32)
    be_row[:R] = np.arange(R, dtype=np.float32) / (R - 1)
    be_row[64:64 + R] = np.arange(R, dtype=np.float32) / (R - 1)
    BE = np.broadcast_to(be_row[None, :], (R, 128)).copy()
    xm_row = np.zeros(128, dtype=np.float32); xm_row[:R] = 1.0
    ym_row = np.zeros(128, dtype=np.float32); ym_row[64:64 + R] = 1.0
    XM = np.broadcast_to(xm_row[None, :], (R, 128)).copy()
    YM = np.broadcast_to(ym_row[None, :], (R, 128)).copy()
    return ((S_E, S_W, S_N, S_S, S_P, S_Q), LM, CMX, CMY, LTC, TOT, MASK,
            AL, BE, XM, YM)


(_SMATS, _LM, _CMX, _CMY, _LTC, _TOT, _MASK,
 _AL, _BE, _XM, _YM) = _mesh_constants()


def _tc_solve_body(acol_ref, w2_ref, w3_ref, se_ref, sw_ref, sn_ref, ss_ref,
                   sp_ref, sq_ref, ltc_ref, tot_ref, lm_ref, cmx_ref,
                   cmy_ref, mask_ref, al_ref, be_ref, xm_ref, ym_ref,
                   out_ref):
    f32 = jnp.float32

    def dot(a, b):
        return jnp.dot(a, b, preferred_element_type=f32)

    z2 = 0.2 + 0.6 / (1.0 + jnp.exp(-w2_ref[...]))
    z3 = 0.2 + 0.6 / (1.0 + jnp.exp(-w3_ref[...]))
    wE = dot(z2, se_ref[...])
    wP = dot(z2, sp_ref[...])
    wN = dot(z2, sn_ref[...])
    wW = dot(z3, sw_ref[...])
    wQ = pltpu.roll(dot(z3, sq_ref[...]), 1, 0)
    wS = pltpu.roll(dot(z3, ss_ref[...]), 1, 0)
    diag = wE + wW + wN + wS + wP + wQ
    ivd = jnp.where(diag > 0.0, 1.0 / jnp.maximum(diag, 1e-20), 0.0)
    mask = mask_ref[...]

    a = 0.2 + 0.6 / (1.0 + jnp.exp(-acol_ref[...]))
    ca = dot(ltc_ref[...], a)
    tot = dot(tot_ref[...], a)[0:1, :]
    theta = ca * (2.0 * np.pi) / tot
    cx = jnp.cos(theta) * RADIUS
    cy = jnp.sin(theta) * RADIUS
    border = cmx_ref[...] * cx + cmy_ref[...] * cy
    x0 = dot(lm_ref[...], border)

    al = al_ref[...]
    be = be_ref[...]
    xm = xm_ref[...]
    ym = ym_ref[...]
    br = x0[0:1, :]
    tp = x0[R - 1:R, :]
    lc = x0[:, 0:1] * xm + x0[:, 64:65] * ym
    rc = x0[:, 47:48] * xm + x0[:, 111:112] * ym
    c00 = x0[0:1, 0:1] * xm + x0[0:1, 64:65] * ym
    c0n = x0[0:1, 47:48] * xm + x0[0:1, 111:112] * ym
    cn0 = x0[R - 1:R, 0:1] * xm + x0[R - 1:R, 64:65] * ym
    cnn = x0[R - 1:R, 47:48] * xm + x0[R - 1:R, 111:112] * ym
    coons = ((1.0 - al) * br + al * tp + (1.0 - be) * lc + be * rc
             - ((1.0 - al) * ((1.0 - be) * c00 + be * c0n)
                + al * ((1.0 - be) * cn0 + be * cnn)))
    x0 = x0 + mask_ref[...] * (coons - x0)

    def jac(x):
        xn = pltpu.roll(x, R - 1, 0)
        xs = pltpu.roll(x, 1, 0)
        s = (wE * pltpu.roll(x, 127, 1)
             + wW * pltpu.roll(x, 1, 1)
             + wN * xn
             + wS * xs
             + wP * pltpu.roll(xn, 1, 1)
             + wQ * pltpu.roll(xs, 127, 1))
        return x + mask * (s * ivd - x)

    lam2 = f32(LAM * LAM)
    x1 = jac(x0)

    def body(k, carry):
        xp, xc, om = carry
        om = jnp.where(k == 2, 1.0 / (1.0 - lam2 / 2.0),
                       1.0 / (1.0 - om * lam2 / 4.0))
        xnew = om * (jac(xc) - xp) + xp
        return (xc, xnew, om)

    _, xfin, _ = lax.fori_loop(2, NIT + 1, body, (x0, x1, f32(1.0)))
    out_ref[...] = xfin


_tc_solve = pl.pallas_call(
    _tc_solve_body,
    out_shape=jax.ShapeDtypeStruct((R, 128), jnp.float32),
)


NPAD = NW * CHUNK


def _sc_points_body(xs_hbm, ys_hbm, xy_hbm, o0_hbm, o1_hbm, o2_hbm, o3_hbm,
                    o4_hbm, o5_hbm, xb, yb, tab, o0, o1, o2, o3, o4, o5):
    wid = lax.axis_index("s") * NC + lax.axis_index("c")
    base = wid * CHUNK
    pltpu.sync_copy(xs_hbm.at[pl.ds(base, CHUNK)], xb)
    pltpu.sync_copy(ys_hbm.at[pl.ds(base, CHUNK)], yb)
    pltpu.sync_copy(xy_hbm, tab)

    fh = jnp.float32(H)
    invh = jnp.float32(1.0 / H)

    def body(g, carry):
        s = pl.ds(g * 16, 16)
        x = xb[s]
        y = yb[s]
        fx = (x + 1.0) * invh
        fy = (y + 1.0) * invh
        j = jnp.minimum(jnp.maximum(fx.astype(jnp.int32), 0), R - 2)
        i = jnp.minimum(jnp.maximum(fy.astype(jnp.int32), 0), R - 2)
        jf = j.astype(jnp.float32)
        if_ = i.astype(jnp.float32)
        u = fx - jf
        w = fy - if_
        low = (u + w) <= 1.0
        upf = jnp.where(low, 0.0, 1.0).astype(jnp.float32)
        upi = jnp.where(low, 0, 1).astype(jnp.int32)
        xj = -1.0 + jf * fh
        yi = -1.0 + if_ * fh
        xA = xj + fh * upf
        yA = yi
        xB = xj + fh
        yB = yi + fh * upf
        xC = xj
        yC = yi + fh
        aA = jnp.abs((x - xB) * (y - yC) - (y - yB) * (x - xC)) * 0.5
        aB = jnp.abs((x - xA) * (y - yC) - (y - yA) * (x - xC)) * 0.5
        aC = jnp.abs((x - xA) * (y - yB) - (y - yA) * (x - xB)) * 0.5
        ssum = jnp.maximum(aA + aB + aC, 1e-12)
        iA = i
        jA = j + upi
        iB = i + upi
        jB = j + 1
        iC = i + 1
        jC = j
        Ax = plsc.load_gather(tab, [iA, jA])
        Ay = plsc.load_gather(tab, [iA, jA + 64])
        Bx = plsc.load_gather(tab, [iB, jB])
        By = plsc.load_gather(tab, [iB, jB + 64])
        Cx = plsc.load_gather(tab, [iC, jC])
        Cy = plsc.load_gather(tab, [iC, jC + 64])
        inv = 1.0 / ssum
        o0[s] = (aA * Ax + aB * Bx + aC * Cx) * inv
        o1[s] = (aA * Ay + aB * By + aC * Cy) * inv
        F1x = Bx - Ax
        F1y = By - Ay
        F2x = Cx - Ax
        F2y = Cy - Ay
        o2[s] = (F1x - upf * F2x) * invh
        o3[s] = jnp.where(low, F2x, F1x) * invh
        o4[s] = (F1y - upf * F2y) * invh
        o5[s] = jnp.where(low, F2y, F1y) * invh
        return carry

    lax.fori_loop(0, GROUPS, body, 0)
    pltpu.sync_copy(o0, o0_hbm.at[pl.ds(base, CHUNK)])
    pltpu.sync_copy(o1, o1_hbm.at[pl.ds(base, CHUNK)])
    pltpu.sync_copy(o2, o2_hbm.at[pl.ds(base, CHUNK)])
    pltpu.sync_copy(o3, o3_hbm.at[pl.ds(base, CHUNK)])
    pltpu.sync_copy(o4, o4_hbm.at[pl.ds(base, CHUNK)])
    pltpu.sync_copy(o5, o5_hbm.at[pl.ds(base, CHUNK)])


@functools.cache
def _get_sc_points():
    return pl.kernel(
        _sc_points_body,
        out_type=tuple(jax.ShapeDtypeStruct((NPAD,), jnp.float32)
                       for _ in range(6)),
        mesh=plsc.VectorSubcoreMesh(core_axis_name="c", subcore_axis_name="s",
                                    num_cores=NC, num_subcores=NS),
        compiler_params=pltpu.CompilerParams(needs_layout_passes=False),
        scratch_types=[
            pltpu.VMEM((CHUNK,), jnp.float32),
            pltpu.VMEM((CHUNK,), jnp.float32),
            pltpu.VMEM((R, 128), jnp.float32),
        ] + [pltpu.VMEM((CHUNK,), jnp.float32) for _ in range(6)],
    )


def kernel(input_points, W_var, angle_var, vertices, edge_index, bound_verts,
           interior_verts):
    f32 = jnp.float32
    w0 = W_var[0].astype(f32)
    w2p = jnp.pad(w0[:FWD_LAST].reshape(47, ROWLEN),
                  ((0, 1), (0, 256 - ROWLEN)))
    w3p = jnp.pad(w0[6721:6721 + FWD_LAST].reshape(47, ROWLEN),
                  ((0, 1), (0, 256 - ROWLEN)))

    acol = jnp.broadcast_to(
        jnp.pad(angle_var[0].astype(f32), (0, 256 - NB))[:, None], (256, 128))

    se, sw, sn, ss, sp, sq = (jnp.asarray(s) for s in _SMATS)
    xy = _tc_solve(acol, w2p, w3p, se, sw, sn, ss, sp, sq,
                   jnp.asarray(_LTC), jnp.asarray(_TOT), jnp.asarray(_LM),
                   jnp.asarray(_CMX), jnp.asarray(_CMY), jnp.asarray(_MASK),
                   jnp.asarray(_AL), jnp.asarray(_BE), jnp.asarray(_XM),
                   jnp.asarray(_YM))

    xs = jnp.pad(input_points[0, :, 0].astype(f32), (0, NPAD - N_POINTS))
    ys = jnp.pad(input_points[0, :, 1].astype(f32), (0, NPAD - N_POINTS))
    px, py, j00, j01, j10, j11 = _get_sc_points()(xs, ys, xy)

    pred_points = jnp.stack([px[:N_POINTS], py[:N_POINTS]], axis=1)[None]
    nvx = xy[:, :R].reshape(-1)
    nvy = xy[:, 64:64 + R].reshape(-1)
    new_vertices = jnp.stack([nvx, nvy], axis=1)[None]
    row0 = jnp.stack([j00[:N_POINTS], j01[:N_POINTS]], axis=-1)
    row1 = jnp.stack([j10[:N_POINTS], j11[:N_POINTS]], axis=-1)
    distortions = jnp.stack([row0, row1], axis=1)
    return (pred_points, new_vertices, distortions)

# --- scband reference (transcript-rebuilt; emitter-appended) ---
"""Pipeline reference for scband-tutte-layer-old-9371618640210 (READ-ONLY COPY).

The authoritative reference and input builder live on the scoring server;
editing this copy changes nothing except your own understanding.
"""

import jax, jax.numpy as jnp
import numpy as np

R = 48
N_POINTS = 100000
RADIUS = 1.0

def build_mesh(Rn):
    xs = np.linspace(-1.0, 1.0, Rn)
    ii, jj = np.meshgrid(np.arange(Rn), np.arange(Rn), indexing='ij')
    verts = np.stack([xs[jj.ravel()], xs[ii.ravel()]], axis=1).astype(np.float32)
    i, j = np.meshgrid(np.arange(Rn - 1), np.arange(Rn - 1), indexing='ij')
    i = i.ravel(); j = j.ravel()
    v00 = i * Rn + j; v01 = v00 + 1; v10 = v00 + Rn; v11 = v10 + 1
    lower = np.stack([v00, v01, v10], axis=1)
    upper = np.stack([v01, v11, v10], axis=1)
    faces = np.concatenate([lower, upper], axis=0).astype(np.int64)
    e = np.concatenate([faces[:, [0, 1]], faces[:, [1, 2]], faces[:, [0, 2]]], axis=0)
    e = np.sort(e, axis=1)
    e = np.unique(e, axis=0)
    edge_index = np.concatenate([e.T, e[:, ::-1].T], axis=1).astype(np.int64)
    bottom = np.arange(Rn)
    right = np.arange(1, Rn) * Rn + (Rn - 1)
    top = (Rn - 1) * Rn + np.arange(Rn - 2, -1, -1)
    left = np.arange(Rn - 2, 0, -1) * Rn
    bound_verts = np.concatenate([bottom, right, top, left]).astype(np.int64)
    mask = np.ones(Rn * Rn, dtype=bool); mask[bound_verts] = False
    interior_verts = np.nonzero(mask)[0].astype(np.int64)
    return verts, edge_index, bound_verts, interior_verts

def setup_inputs(seed: int = 0):
    key = jax.random.key(seed)
    k1, k2, k3 = jax.random.split(key, 3)
    verts, edge_index, bound_verts, interior_verts = build_mesh(R)
    n_edges = edge_index.shape[1]
    n_bound = bound_verts.shape[0]
    input_points = jax.random.uniform(k1, (1, N_POINTS, 2), dtype=jnp.float32) * 1.8 - 0.9
    W_var = jax.random.uniform(k2, (1, n_edges), dtype=jnp.float32)
    angle_var = jax.random.uniform(k3, (1, n_bound), dtype=jnp.float32)
    return {"input_points": input_points, "W_var": W_var, "angle_var": angle_var,
            "vertices": jnp.asarray(verts), "edge_index": jnp.asarray(edge_index),
            "bound_verts": jnp.asarray(bound_verts), "interior_verts": jnp.asarray(interior_verts)}

def find_simplex(points, Rn):
    h = 2.0 / (Rn - 1)
    fx = (points[:, 0] + 1.0) / h
    fy = (points[:, 1] + 1.0) / h
    j = jnp.clip(jnp.floor(fx), 0, Rn - 2).astype(jnp.int32)
    i = jnp.clip(jnp.floor(fy), 0, Rn - 2).astype(jnp.int32)
    u = fx - j; w = fy - i
    v00 = i * Rn + j; v01 = v00 + 1; v10 = v00 + Rn; v11 = v10 + 1
    low = (u + w) <= 1.0
    a = jnp.where(low, v00, v01)
    b = jnp.where(low, v01, v11)
    c = v10
    return jnp.stack([a, b, c], axis=1)

def get_areas(points, tri_nodes, verts):
    A = verts[tri_nodes[:, :, 0]]
    B = verts[tri_nodes[:, :, 1]]
    C = verts[tri_nodes[:, :, 2]]
    loc = points
    def cr(P, Q):
        return jnp.abs(P[:, :, 0] * Q[:, :, 1] - P[:, :, 1] * Q[:, :, 0]) / 2.0
    area_A = cr(loc - B, loc - C)
    area_B = cr(loc - A, loc - C)
    area_C = cr(loc - A, loc - B)
    return jnp.stack([area_A, area_B, area_C], axis=2)

def tutte_embedding(W_var, angle_var, vertices, edge_index, bound_verts, interior_verts):
    n = vertices.shape[0]
    W = jax.nn.sigmoid(W_var) * 0.6 + 0.2
    ang = jax.nn.sigmoid(angle_var) * 0.6 + 0.2
    ang = ang / ang.sum(axis=1, keepdims=True)
    theta = jnp.cumsum(ang, axis=1) * 2.0 * jnp.pi
    bound_pos = RADIUS * jnp.stack([jnp.cos(theta[0]), jnp.sin(theta[0])], axis=1)
    src = edge_index[0]; dst = edge_index[1]
    w = W[0]
    L = jnp.zeros((n, n), dtype=jnp.float32)
    L = L.at[src, dst].add(-w)
    L = L.at[src, src].add(w)
    A = L[interior_verts][:, interior_verts]
    Bm = L[interior_verts][:, bound_verts]
    rhs = -(Bm @ bound_pos)
    x = jnp.linalg.solve(A, rhs)
    out = jnp.zeros((n, 2), dtype=jnp.float32)
    out = out.at[bound_verts].set(bound_pos)
    out = out.at[interior_verts].set(x)
    return out[None]

def tutte_interp(new_verts, tri_nodes, areas):
    nv = new_verts[0]
    A = nv[tri_nodes[:, :, 0]]; B = nv[tri_nodes[:, :, 1]]; C = nv[tri_nodes[:, :, 2]]
    wts = areas / jnp.clip(areas.sum(axis=2, keepdims=True), 1e-12, None)
    return wts[:, :, 0:1] * A + wts[:, :, 1:2] * B + wts[:, :, 2:3] * C

def compute_distortion(tri_nodes, old_verts, new_verts):
    tn = tri_nodes.reshape(-1, 3)
    oA = old_verts[tn[:, 0]]; oB = old_verts[tn[:, 1]]; oC = old_verts[tn[:, 2]]
    nv = new_verts[0]
    nA = nv[tn[:, 0]]; nB = nv[tn[:, 1]]; nC = nv[tn[:, 2]]
    E1 = oB - oA; E2 = oC - oA
    F1 = nB - nA; F2 = nC - nA
    det = E1[:, 0] * E2[:, 1] - E1[:, 1] * E2[:, 0]
    det = jnp.where(jnp.abs(det) < 1e-12, 1e-12, det)
    inv00 = E2[:, 1] / det; inv01 = -E2[:, 0] / det
    inv10 = -E1[:, 1] / det; inv11 = E1[:, 0] / det
    J00 = F1[:, 0] * inv00 + F2[:, 0] * inv10
    J01 = F1[:, 0] * inv01 + F2[:, 0] * inv11
    J10 = F1[:, 1] * inv00 + F2[:, 1] * inv10
    J11 = F1[:, 1] * inv01 + F2[:, 1] * inv11
    row0 = jnp.stack([J00, J01], axis=-1)
    row1 = jnp.stack([J10, J11], axis=-1)
    return jnp.stack([row0, row1], axis=1)

def reference(input_points, W_var, angle_var, vertices, edge_index, bound_verts, interior_verts):
    b, N, _ = input_points.shape
    Rn = int(np.sqrt(vertices.shape[0]) + 0.5)
    tri_nodes = find_simplex(input_points.reshape(b * N, 2), Rn).reshape(b, N, 3)
    areas = get_areas(input_points, tri_nodes, vertices)
    new_vertices = tutte_embedding(W_var, angle_var, vertices, edge_index, bound_verts, interior_verts)
    pred_points = tutte_interp(new_vertices, tri_nodes, areas)
    distortions = compute_distortion(tri_nodes, vertices, new_vertices)
    return (pred_points, new_vertices, distortions)

if __name__ == "__main__":
    import jax
    _d = setup_inputs()
    print(jax.jit(kernel)(*tuple(_d.values())))

</pallas_src>

<mosaic_0001>
#map = affine_map<(d0, d1) -> (0)>
#map1 = affine_map<(d0, d1) -> (0, 0)>
module attributes {stable_mosaic.version = 14 : i64} {
  func.func @_sc_points_body(%arg0: i32, %arg1: i32, %arg2: memref<100352xf32, #tpu.memory_space<hbm>>, %arg3: memref<100352xf32, #tpu.memory_space<hbm>>, %arg4: memref<48x128xf32, #tpu.memory_space<hbm>>, %arg5: memref<100352xf32, #tpu.memory_space<hbm>>, %arg6: memref<100352xf32, #tpu.memory_space<hbm>>, %arg7: memref<100352xf32, #tpu.memory_space<hbm>>, %arg8: memref<100352xf32, #tpu.memory_space<hbm>>, %arg9: memref<100352xf32, #tpu.memory_space<hbm>>, %arg10: memref<100352xf32, #tpu.memory_space<hbm>>, %arg11: memref<3136xf32, #tpu.memory_space<vmem>>, %arg12: memref<3136xf32, #tpu.memory_space<vmem>>, %arg13: memref<48x128xf32, #tpu.memory_space<vmem>>, %arg14: memref<3136xf32, #tpu.memory_space<vmem>>, %arg15: memref<3136xf32, #tpu.memory_space<vmem>>, %arg16: memref<3136xf32, #tpu.memory_space<vmem>>, %arg17: memref<3136xf32, #tpu.memory_space<vmem>>, %arg18: memref<3136xf32, #tpu.memory_space<vmem>>, %arg19: memref<3136xf32, #tpu.memory_space<vmem>>) attributes {dimension_semantics = [#tpu.dimension_semantics<core_parallel>, #tpu.dimension_semantics<subcore_parallel>], iteration_bounds = array<i64: 2, 16>, scalar_prefetch = 0 : i64, scratch_operands = 9 : i64, tpu.core_type = #tpu.core_type<sc_vector_subcore>, window_params = [{transform_indices = #map}, {transform_indices = #map}, {transform_indices = #map1}, {transform_indices = #map}, {transform_indices = #map}, {transform_indices = #map}, {transform_indices = #map}, {transform_indices = #map}, {transform_indices = #map}]} {
    %mul3A = arith.constant 2 : i32
    %mul3A_0 = arith.muli %arg1, %mul3A : i32
    %add3A = arith.addi %mul3A_0, %arg0 : i32
    %mul3A_1 = arith.constant 3136 : i32
    %mul3A_2 = arith.muli %add3A, %mul3A_1 : i32
    "tpu.region"() ({
      %run_scoped3A = tpu.sem_alloc : memref<!tpu.dma_semaphore, #tpu.memory_space<semaphore_mem>>
      %dma_start3A = tpu.memref_slice %arg2[%mul3A_2] : memref<100352xf32, #tpu.memory_space<hbm>> -> memref<3136xf32, #tpu.memory_space<hbm>>
      %dma_start3A_10 = tpu.memref_slice %arg2[%mul3A_2] : memref<100352xf32, #tpu.memory_space<hbm>> -> memref<3136xf32, #tpu.memory_space<hbm>>
      tpu.enqueue_dma source(%dma_start3A_10 : memref<3136xf32, #tpu.memory_space<hbm>>) target(%arg11 : memref<3136xf32, #tpu.memory_space<vmem>>) target_semaphore(%run_scoped3A : memref<!tpu.dma_semaphore, #tpu.memory_space<semaphore_mem>>)
      %dma_wait3A = tpu.memref_slice %arg2[%mul3A_2] : memref<100352xf32, #tpu.memory_space<hbm>> -> memref<3136xf32, #tpu.memory_space<hbm>>
      %dma_wait3A_11 = tpu.memref_slice %arg2[%mul3A_2] : memref<100352xf32, #tpu.memory_space<hbm>> -> memref<3136xf32, #tpu.memory_space<hbm>>
      tpu.wait_dma2 semaphore(%run_scoped3A : memref<!tpu.dma_semaphore, #tpu.memory_space<semaphore_mem>>) src(%dma_wait3A_11 : memref<3136xf32, #tpu.memory_space<hbm>>) dst(%arg11 : memref<3136xf32, #tpu.memory_space<vmem>>)
      tpu.yield
    }) : () -> ()
    "tpu.region"() ({
      %run_scoped3A = tpu.sem_alloc : memref<!tpu.dma_semaphore, #tpu.memory_space<semaphore_mem>>
      %dma_start3A = tpu.memref_slice %arg3[%mul3A_2] : memref<100352xf32, #tpu.memory_space<hbm>> -> memref<3136xf32, #tpu.memory_space<hbm>>
      %dma_start3A_10 = tpu.memref_slice %arg3[%mul3A_2] : memref<100352xf32, #tpu.memory_space<hbm>> -> memref<3136xf32, #tpu.memory_space<hbm>>
      tpu.enqueue_dma source(%dma_start3A_10 : memref<3136xf32, #tpu.memory_space<hbm>>) target(%arg12 : memref<3136xf32, #tpu.memory_space<vmem>>) target_semaphore(%run_scoped3A : memref<!tpu.dma_semaphore, #tpu.memory_space<semaphore_mem>>)
      %dma_wait3A = tpu.memref_slice %arg3[%mul3A_2] : memref<100352xf32, #tpu.memory_space<hbm>> -> memref<3136xf32, #tpu.memory_space<hbm>>
      %dma_wait3A_11 = tpu.memref_slice %arg3[%mul3A_2] : memref<100352xf32, #tpu.memory_space<hbm>> -> memref<3136xf32, #tpu.memory_space<hbm>>
      tpu.wait_dma2 semaphore(%run_scoped3A : memref<!tpu.dma_semaphore, #tpu.memory_space<semaphore_mem>>) src(%dma_wait3A_11 : memref<3136xf32, #tpu.memory_space<hbm>>) dst(%arg12 : memref<3136xf32, #tpu.memory_space<vmem>>)
      tpu.yield
    }) : () -> ()
    "tpu.region"() ({
      %run_scoped3A = tpu.sem_alloc : memref<!tpu.dma_semaphore, #tpu.memory_space<semaphore_mem>>
      tpu.enqueue_dma source(%arg4 : memref<48x128xf32, #tpu.memory_space<hbm>>) target(%arg13 : memref<48x128xf32, #tpu.memory_space<vmem>>) target_semaphore(%run_scoped3A : memref<!tpu.dma_semaphore, #tpu.memory_space<semaphore_mem>>)
      tpu.wait_dma2 semaphore(%run_scoped3A : memref<!tpu.dma_semaphore, #tpu.memory_space<semaphore_mem>>) src(%arg4 : memref<48x128xf32, #tpu.memory_space<hbm>>) dst(%arg13 : memref<48x128xf32, #tpu.memory_space<vmem>>)
      tpu.yield
    }) : () -> ()
    %scan3A = arith.constant 0 : i32
    %scan3A_3 = arith.constant 2.350000e+01 : f32
    %scan3A_4 = arith.constant 0.0425531901 : f32
    %scan3A_5 = arith.constant 0 : i32
    %scan3A_6 = arith.constant 196 : i32
    %scan3A_7 = arith.addi %scan3A_5, %scan3A_6 : i32
    %scan3A_8 = arith.constant 1 : i32
    scf.for %scan3A_10 = %scan3A_5 to %scan3A_7 step %scan3A_8  : i32 {
      %mul3A_11 = arith.constant 16 : i32
      %mul3A_12 = arith.muli %scan3A_10, %mul3A_11 : i32
      %get3A = arith.index_cast %mul3A_12 : i32 to index
      %get3A_13 = tpu.vector_load %arg11[%get3A] {strides = array<i32>} : memref<3136xf32, #tpu.memory_space<vmem>>, vector<16xf32>,
      %get3A_14 = arith.index_cast %mul3A_12 : i32 to index
      %get3A_15 = tpu.vector_load %arg12[%get3A_14] {strides = array<i32>} : memref<3136xf32, #tpu.memory_space<vmem>>, vector<16xf32>,
      %add3A_16 = arith.constant 1.000000e+00 : f32
      %add3A_17 = vector.broadcast %add3A_16 : f32 to vector<16xf32>
      %add3A_18 = arith.addf %get3A_13, %add3A_17 : vector<16xf32>
      %mul3A_19 = vector.broadcast %scan3A_3 : f32 to vector<16xf32>
      %mul3A_20 = arith.mulf %add3A_18, %mul3A_19 : vector<16xf32>
      %add3A_21 = arith.constant 1.000000e+00 : f32
      %add3A_22 = vector.broadcast %add3A_21 : f32 to vector<16xf32>
      %add3A_23 = arith.addf %get3A_15, %add3A_22 : vector<16xf32>
      %mul3A_24 = vector.broadcast %scan3A_3 : f32 to vector<16xf32>
      %mul3A_25 = arith.mulf %add3A_23, %mul3A_24 : vector<16xf32>
      %convert_element_type3A = arith.fptosi %mul3A_20 : vector<16xf32> to vector<16xi32>
      %max3A = arith.constant 0 : i32
      %max3A_26 = vector.broadcast %max3A : i32 to vector<16xi32>
      %max3A_27 = arith.maxsi %convert_element_type3A, %max3A_26 : vector<16xi32>
      %min3A = arith.constant 46 : i32
      %min3A_28 = vector.broadcast %min3A : i32 to vector<16xi32>
      %min3A_29 = arith.minsi %max3A_27, %min3A_28 : vector<16xi32>
      %convert_element_type3A_30 = arith.fptosi %mul3A_25 : vector<16xf32> to vector<16xi32>
      %max3A_31 = arith.constant 0 : i32
      %max3A_32 = vector.broadcast %max3A_31 : i32 to vector<16xi32>
      %max3A_33 = arith.maxsi %convert_element_type3A_30, %max3A_32 : vector<16xi32>
      %min3A_34 = arith.constant 46 : i32
      %min3A_35 = vector.broadcast %min3A_34 : i32 to vector<16xi32>
      %min3A_36 = arith.minsi %max3A_33, %min3A_35 : vector<16xi32>
      %convert_element_type3A_37 = arith.sitofp %min3A_29 : vector<16xi32> to vector<16xf32>
      %convert_element_type3A_38 = arith.sitofp %min3A_36 : vector<16xi32> to vector<16xf32>
      %sub3A = arith.subf %mul3A_20, %convert_element_type3A_37 : vector<16xf32>
      %sub3A_39 = arith.subf %mul3A_25, %convert_element_type3A_38 : vector<16xf32>
      %add3A_40 = arith.addf %sub3A, %sub3A_39 : vector<16xf32>
      %le3A = arith.constant 1.000000e+00 : f32
      %le3A_41 = vector.broadcast %le3A : f32 to vector<16xf32>
      %le3A_42 = arith.cmpf ole, %add3A_40, %le3A_41 : vector<16xf32>
      %jit3A = arith.constant 0.000000e+00 : f32
      %jit3A_43 = arith.constant 1.000000e+00 : f32
      %broadcast_in_dim3A = vector.broadcast %jit3A : f32 to vector<16xf32>
      %broadcast_in_dim3A_44 = vector.broadcast %jit3A_43 : f32 to vector<16xf32>
      %select_n3A = arith.select %le3A_42, %broadcast_in_dim3A, %broadcast_in_dim3A_44 : vector<16xi1>, vector<16xf32>
      %jit3A_45 = arith.constant 0 : i32
      %jit3A_46 = arith.constant 1 : i32
      %broadcast_in_dim3A_47 = vector.broadcast %jit3A_45 : i32 to vector<16xi32>
      %broadcast_in_dim3A_48 = vector.broadcast %jit3A_46 : i32 to vector<16xi32>
      %select_n3A_49 = arith.select %le3A_42, %broadcast_in_dim3A_47, %broadcast_in_dim3A_48 : vector<16xi1>, vector<16xi32>
      %mul3A_50 = vector.broadcast %scan3A_4 : f32 to vector<16xf32>
      %mul3A_51 = arith.mulf %convert_element_type3A_37, %mul3A_50 : vector<16xf32>
      %add3A_52 = arith.constant -1.000000e+00 : f32
      %add3A_53 = vector.broadcast %add3A_52 : f32 to vector<16xf32>
      %add3A_54 = arith.addf %add3A_53, %mul3A_51 : vector<16xf32>
      %mul3A_55 = vector.broadcast %scan3A_4 : f32 to vector<16xf32>
      %mul3A_56 = arith.mulf %convert_element_type3A_38, %mul3A_55 : vector<16xf32>
      %add3A_57 = arith.constant -1.000000e+00 : f32
      %add3A_58 = vector.broadcast %add3A_57 : f32 to vector<16xf32>
      %add3A_59 = arith.addf %add3A_58, %mul3A_56 : vector<16xf32>
      %mul3A_60 = vector.broadcast %scan3A_4 : f32 to vector<16xf32>
      %mul3A_61 = arith.mulf %mul3A_60, %select_n3A : vector<16xf32>
      %add3A_62 = arith.addf %add3A_54, %mul3A_61 : vector<16xf32>
      %add3A_63 = vector.broadcast %scan3A_4 : f32 to vector<16xf32>
      %add3A_64 = arith.addf %add3A_54, %add3A_63 : vector<16xf32>
      %mul3A_65 = vector.broadcast %scan3A_4 : f32 to vector<16xf32>
      %mul3A_66 = arith.mulf %mul3A_65, %select_n3A : vector<16xf32>
      %add3A_67 = arith.addf %add3A_59, %mul3A_66 : vector<16xf32>
      %add3A_68 = vector.broadcast %scan3A_4 : f32 to vector<16xf32>
      %add3A_69 = arith.addf %add3A_59, %add3A_68 : vector<16xf32>
      %sub3A_70 = arith.subf %get3A_13, %add3A_64 : vector<16xf32>
      %sub3A_71 = arith.subf %get3A_15, %add3A_69 : vector<16xf32>
      %mul3A_72 = arith.mulf %sub3A_70, %sub3A_71 : vector<16xf32>
      %sub3A_73 = arith.subf %get3A_15, %add3A_67 : vector<16xf32>
      %sub3A_74 = arith.subf %get3A_13, %add3A_54 : vector<16xf32>
      %mul3A_75 = arith.mulf %sub3A_73, %sub3A_74 : vector<16xf32>
      %sub3A_76 = arith.subf %mul3A_72, %mul3A_75 : vector<16xf32>
      %abs3A = math.absf %sub3A_76 : vector<16xf32>
      %mul3A_77 = arith.constant 5.000000e-01 : f32
      %mul3A_78 = vector.broadcast %mul3A_77 : f32 to vector<16xf32>
      %mul3A_79 = arith.mulf %abs3A, %mul3A_78 : vector<16xf32>
      %sub3A_80 = arith.subf %get3A_13, %add3A_62 : vector<16xf32>
      %sub3A_81 = arith.subf %get3A_15, %add3A_69 : vector<16xf32>
      %mul3A_82 = arith.mulf %sub3A_80, %sub3A_81 : vector<16xf32>
      %sub3A_83 = arith.subf %get3A_15, %add3A_59 : vector<16xf32>
      %sub3A_84 = arith.subf %get3A_13, %add3A_54 : vector<16xf32>
      %mul3A_85 = arith.mulf %sub3A_83, %sub3A_84 : vector<16xf32>
      %sub3A_86 = arith.subf %mul3A_82, %mul3A_85 : vector<16xf32>
      %abs3A_87 = math.absf %sub3A_86 : vector<16xf32>
      %mul3A_88 = arith.constant 5.000000e-01 : f32
      %mul3A_89 = vector.broadcast %mul3A_88 : f32 to vector<16xf32>
      %mul3A_90 = arith.mulf %abs3A_87, %mul3A_89 : vector<16xf32>
      %sub3A_91 = arith.subf %get3A_13, %add3A_62 : vector<16xf32>
      %sub3A_92 = arith.subf %get3A_15, %add3A_67 : vector<16xf32>
      %mul3A_93 = arith.mulf %sub3A_91, %sub3A_92 : vector<16xf32>
      %sub3A_94 = arith.subf %get3A_15, %add3A_59 : vector<16xf32>
      %sub3A_95 = arith.subf %get3A_13, %add3A_64 : vector<16xf32>
      %mul3A_96 = arith.mulf %sub3A_94, %sub3A_95 : vector<16xf32>
      %sub3A_97 = arith.subf %mul3A_93, %mul3A_96 : vector<16xf32>
      %abs3A_98 = math.absf %sub3A_97 : vector<16xf32>
      %mul3A_99 = arith.constant 5.000000e-01 : f32
      %mul3A_100 = vector.broadcast %mul3A_99 : f32 to vector<16xf32>
      %mul3A_101 = arith.mulf %abs3A_98, %mul3A_100 : vector<16xf32>
      %add3A_102 = arith.addf %mul3A_79, %mul3A_90 : vector<16xf32>
      %add3A_103 = arith.addf %add3A_102, %mul3A_101 : vector<16xf32>
      %max3A_104 = arith.constant 9.99999996E-13 : f32
      %max3A_105 = vector.broadcast %max3A_104 : f32 to vector<16xf32>
      %max3A_106 = arith.maximumf %add3A_103, %max3A_105 : vector<16xf32>
      %add3A_107 = arith.addi %min3A_29, %select_n3A_49 : vector<16xi32>
      %add3A_108 = arith.addi %min3A_36, %select_n3A_49 : vector<16xi32>
      %add3A_109 = arith.constant 1 : i32
      %add3A_110 = vector.broadcast %add3A_109 : i32 to vector<16xi32>
      %add3A_111 = arith.addi %min3A_29, %add3A_110 : vector<16xi32>
      %add3A_112 = arith.constant 1 : i32
      %add3A_113 = vector.broadcast %add3A_112 : i32 to vector<16xi32>
      %add3A_114 = arith.addi %min3A_36, %add3A_113 : vector<16xi32>
      %gather3A = tpu.vector_load_idx %arg13[%min3A_36, %add3A_107] : memref<48x128xf32, #tpu.memory_space<vmem>>[vector<16xi32>, vector<16xi32>], vector<16xf32>,
      %add3A_115 = arith.constant 64 : i32
      %add3A_116 = vector.broadcast %add3A_115 : i32 to vector<16xi32>
      %add3A_117 = arith.addi %add3A_107, %add3A_116 : vector<16xi32>
      %gather3A_118 = tpu.vector_load_idx %arg13[%min3A_36, %add3A_117] : memref<48x128xf32, #tpu.memory_space<vmem>>[vector<16xi32>, vector<16xi32>], vector<16xf32>,
      %gather3A_119 = tpu.vector_load_idx %arg13[%add3A_108, %add3A_111] : memref<48x128xf32, #tpu.memory_space<vmem>>[vector<16xi32>, vector<16xi32>], vector<16xf32>,
      %add3A_120 = arith.constant 64 : i32
      %add3A_121 = vector.broadcast %add3A_120 : i32 to vector<16xi32>
      %add3A_122 = arith.addi %add3A_111, %add3A_121 : vector<16xi32>
      %gather3A_123 = tpu.vector_load_idx %arg13[%add3A_108, %add3A_122] : memref<48x128xf32, #tpu.memory_space<vmem>>[vector<16xi32>, vector<16xi32>], vector<16xf32>,
      %gather3A_124 = tpu.vector_load_idx %arg13[%add3A_114, %min3A_29] : memref<48x128xf32, #tpu.memory_space<vmem>>[vector<16xi32>, vector<16xi32>], vector<16xf32>,
      %add3A_125 = arith.constant 64 : i32
      %add3A_126 = vector.broadcast %add3A_125 : i32 to vector<16xi32>
      %add3A_127 = arith.addi %min3A_29, %add3A_126 : vector<16xi32>
      %gather3A_128 = tpu.vector_load_idx %arg13[%add3A_114, %add3A_127] : memref<48x128xf32, #tpu.memory_space<vmem>>[vector<16xi32>, vector<16xi32>], vector<16xf32>,
      %div3A = arith.constant 1.000000e+00 : f32
      %div3A_129 = vector.broadcast %div3A : f32 to vector<16xf32>
      %div3A_130 = arith.divf %div3A_129, %max3A_106 : vector<16xf32>
      %mul3A_131 = arith.mulf %mul3A_79, %gather3A : vector<16xf32>
      %mul3A_132 = arith.mulf %mul3A_90, %gather3A_119 : vector<16xf32>
      %add3A_133 = arith.addf %mul3A_131, %mul3A_132 : vector<16xf32>
      %mul3A_134 = arith.mulf %mul3A_101, %gather3A_124 : vector<16xf32>
      %add3A_135 = arith.addf %add3A_133, %mul3A_134 : vector<16xf32>
      %mul3A_136 = arith.mulf %add3A_135, %div3A_130 : vector<16xf32>
      %swap3A = arith.index_cast %mul3A_12 : i32 to index
      %swap3A_137 = tpu.vector_load %arg14[%swap3A] {strides = array<i32>} : memref<3136xf32, #tpu.memory_space<vmem>>, vector<16xf32>,
      tpu.vector_store %arg14[%swap3A], %mul3A_136 {strides = array<i32>} : memref<3136xf32, #tpu.memory_space<vmem>>, vector<16xf32>,
      %mul3A_138 = arith.mulf %mul3A_79, %gather3A_118 : vector<16xf32>
      %mul3A_139 = arith.mulf %mul3A_90, %gather3A_123 : vector<16xf32>
      %add3A_140 = arith.addf %mul3A_138, %mul3A_139 : vector<16xf32>
      %mul3A_141 = arith.mulf %mul3A_101, %gather3A_128 : vector<16xf32>
      %add3A_142 = arith.addf %add3A_140, %mul3A_141 : vector<16xf32>
      %mul3A_143 = arith.mulf %add3A_142, %div3A_130 : vector<16xf32>
      %swap3A_144 = arith.index_cast %mul3A_12 : i32 to index
      %swap3A_145 = tpu.vector_load %arg15[%swap3A_144] {strides = array<i32>} : memref<3136xf32, #tpu.memory_space<vmem>>, vector<16xf32>,
      tpu.vector_store %arg15[%swap3A_144], %mul3A_143 {strides = array<i32>} : memref<3136xf32, #tpu.memory_space<vmem>>, vector<16xf32>,
      %sub3A_146 = arith.subf %gather3A_119, %gather3A : vector<16xf32>
      %sub3A_147 = arith.subf %gather3A_123, %gather3A_118 : vector<16xf32>
      %sub3A_148 = arith.subf %gather3A_124, %gather3A : vector<16xf32>
      %sub3A_149 = arith.subf %gather3A_128, %gather3A_118 : vector<16xf32>
      %mul3A_150 = arith.mulf %select_n3A, %sub3A_148 : vector<16xf32>
      %sub3A_151 = arith.subf %sub3A_146, %mul3A_150 : vector<16xf32>
      %mul3A_152 = vector.broadcast %scan3A_3 : f32 to vector<16xf32>
      %mul3A_153 = arith.mulf %sub3A_151, %mul3A_152 : vector<16xf32>
      %swap3A_154 = arith.index_cast %mul3A_12 : i32 to index
      %swap3A_155 = tpu.vector_load %arg16[%swap3A_154] {strides = array<i32>} : memref<3136xf32, #tpu.memory_space<vmem>>, vector<16xf32>,
      tpu.vector_store %arg16[%swap3A_154], %mul3A_153 {strides = array<i32>} : memref<3136xf32, #tpu.memory_space<vmem>>, vector<16xf32>,
      %select_n3A_156 = arith.select %le3A_42, %sub3A_148, %sub3A_146 : vector<16xi1>, vector<16xf32>
      %mul3A_157 = vector.broadcast %scan3A_3 : f32 to vector<16xf32>
      %mul3A_158 = arith.mulf %select_n3A_156, %mul3A_157 : vector<16xf32>
      %swap3A_159 = arith.index_cast %mul3A_12 : i32 to index
      %swap3A_160 = tpu.vector_load %arg17[%swap3A_159] {strides = array<i32>} : memref<3136xf32, #tpu.memory_space<vmem>>, vector<16xf32>,
      tpu.vector_store %arg17[%swap3A_159], %mul3A_158 {strides = array<i32>} : memref<3136xf32, #tpu.memory_space<vmem>>, vector<16xf32>,
      %mul3A_161 = arith.mulf %select_n3A, %sub3A_149 : vector<16xf32>
      %sub3A_162 = arith.subf %sub3A_147, %mul3A_161 : vector<16xf32>
      %mul3A_163 = vector.broadcast %scan3A_3 : f32 to vector<16xf32>
      %mul3A_164 = arith.mulf %sub3A_162, %mul3A_163 : vector<16xf32>
      %swap3A_165 = arith.index_cast %mul3A_12 : i32 to index
      %swap3A_166 = tpu.vector_load %arg18[%swap3A_165] {strides = array<i32>} : memref<3136xf32, #tpu.memory_space<vmem>>, vector<16xf32>,
      tpu.vector_store %arg18[%swap3A_165], %mul3A_164 {strides = array<i32>} : memref<3136xf32, #tpu.memory_space<vmem>>, vector<16xf32>,
      %select_n3A_167 = arith.select %le3A_42, %sub3A_149, %sub3A_147 : vector<16xi1>, vector<16xf32>
      %mul3A_168 = vector.broadcast %scan3A_3 : f32 to vector<16xf32>
      %mul3A_169 = arith.mulf %select_n3A_167, %mul3A_168 : vector<16xf32>
      %swap3A_170 = arith.index_cast %mul3A_12 : i32 to index
      %swap3A_171 = tpu.vector_load %arg19[%swap3A_170] {strides = array<i32>} : memref<3136xf32, #tpu.memory_space<vmem>>, vector<16xf32>,
      tpu.vector_store %arg19[%swap3A_170], %mul3A_169 {strides = array<i32>} : memref<3136xf32, #tpu.memory_space<vmem>>, vector<16xf32>,
    }
    %scan3A_9 = arith.constant 196 : i32
    "tpu.region"() ({
      %run_scoped3A = tpu.sem_alloc : memref<!tpu.dma_semaphore, #tpu.memory_space<semaphore_mem>>
      %dma_start3A = tpu.memref_slice %arg5[%mul3A_2] : memref<100352xf32, #tpu.memory_space<hbm>> -> memref<3136xf32, #tpu.memory_space<hbm>>
      %dma_start3A_10 = tpu.memref_slice %arg5[%mul3A_2] : memref<100352xf32, #tpu.memory_space<hbm>> -> memref<3136xf32, #tpu.memory_space<hbm>>
      tpu.enqueue_dma source(%arg14 : memref<3136xf32, #tpu.memory_space<vmem>>) target(%dma_start3A_10 : memref<3136xf32, #tpu.memory_space<hbm>>) target_semaphore(%run_scoped3A : memref<!tpu.dma_semaphore, #tpu.memory_space<semaphore_mem>>)
      %dma_wait3A = tpu.memref_slice %arg5[%mul3A_2] : memref<100352xf32, #tpu.memory_space<hbm>> -> memref<3136xf32, #tpu.memory_space<hbm>>
      %dma_wait3A_11 = tpu.memref_slice %arg5[%mul3A_2] : memref<100352xf32, #tpu.memory_space<hbm>> -> memref<3136xf32, #tpu.memory_space<hbm>>
      tpu.wait_dma2 semaphore(%run_scoped3A : memref<!tpu.dma_semaphore, #tpu.memory_space<semaphore_mem>>) src(%arg14 : memref<3136xf32, #tpu.memory_space<vmem>>) dst(%dma_wait3A_11 : memref<3136xf32, #tpu.memory_space<hbm>>)
      tpu.yield
    }) : () -> ()
    "tpu.region"() ({
      %run_scoped3A = tpu.sem_alloc : memref<!tpu.dma_semaphore, #tpu.memory_space<semaphore_mem>>
      %dma_start3A = tpu.memref_slice %arg6[%mul3A_2] : memref<100352xf32, #tpu.memory_space<hbm>> -> memref<3136xf32, #tpu.memory_space<hbm>>
      %dma_start3A_10 = tpu.memref_slice %arg6[%mul3A_2] : memref<100352xf32, #tpu.memory_space<hbm>> -> memref<3136xf32, #tpu.memory_space<hbm>>
      tpu.enqueue_dma source(%arg15 : memref<3136xf32, #tpu.memory_space<vmem>>) target(%dma_start3A_10 : memref<3136xf32, #tpu.memory_space<hbm>>) target_semaphore(%run_scoped3A : memref<!tpu.dma_semaphore, #tpu.memory_space<semaphore_mem>>)
      %dma_wait3A = tpu.memref_slice %arg6[%mul3A_2] : memref<100352xf32, #tpu.memory_space<hbm>> -> memref<3136xf32, #tpu.memory_space<hbm>>
      %dma_wait3A_11 = tpu.memref_slice %arg6[%mul3A_2] : memref<100352xf32, #tpu.memory_space<hbm>> -> memref<3136xf32, #tpu.memory_space<hbm>>
      tpu.wait_dma2 semaphore(%run_scoped3A : memref<!tpu.dma_semaphore, #tpu.memory_space<semaphore_mem>>) src(%arg15 : memref<3136xf32, #tpu.memory_space<vmem>>) dst(%dma_wait3A_11 : memref<3136xf32, #tpu.memory_space<hbm>>)
      tpu.yield
    }) : () -> ()
    "tpu.region"() ({
      %run_scoped3A = tpu.sem_alloc : memref<!tpu.dma_semaphore, #tpu.memory_space<semaphore_mem>>
      %dma_start3A = tpu.memref_slice %arg7[%mul3A_2] : memref<100352xf32, #tpu.memory_space<hbm>> -> memref<3136xf32, #tpu.memory_space<hbm>>
      %dma_start3A_10 = tpu.memref_slice %arg7[%mul3A_2] : memref<100352xf32, #tpu.memory_space<hbm>> -> memref<3136xf32, #tpu.memory_space<hbm>>
      tpu.enqueue_dma source(%arg16 : memref<3136xf32, #tpu.memory_space<vmem>>) target(%dma_start3A_10 : memref<3136xf32, #tpu.memory_space<hbm>>) target_semaphore(%run_scoped3A : memref<!tpu.dma_semaphore, #tpu.memory_space<semaphore_mem>>)
      %dma_wait3A = tpu.memref_slice %arg7[%mul3A_2] : memref<100352xf32, #tpu.memory_space<hbm>> -> memref<3136xf32, #tpu.memory_space<hbm>>
      %dma_wait3A_11 = tpu.memref_slice %arg7[%mul3A_2] : memref<100352xf32, #tpu.memory_space<hbm>> -> memref<3136xf32, #tpu.memory_space<hbm>>
      tpu.wait_dma2 semaphore(%run_scoped3A : memref<!tpu.dma_semaphore, #tpu.memory_space<semaphore_mem>>) src(%arg16 : memref<3136xf32, #tpu.memory_space<vmem>>) dst(%dma_wait3A_11 : memref<3136xf32, #tpu.memory_space<hbm>>)
      tpu.yield
    }) : () -> ()
    "tpu.region"() ({
      %run_scoped3A = tpu.sem_alloc : memref<!tpu.dma_semaphore, #tpu.memory_space<semaphore_mem>>
      %dma_start3A = tpu.memref_slice %arg8[%mul3A_2] : memref<100352xf32, #tpu.memory_space<hbm>> -> memref<3136xf32, #tpu.memory_space<hbm>>
      %dma_start3A_10 = tpu.memref_slice %arg8[%mul3A_2] : memref<100352xf32, #tpu.memory_space<hbm>> -> memref<3136xf32, #tpu.memory_space<hbm>>
      tpu.enqueue_dma source(%arg17 : memref<3136xf32, #tpu.memory_space<vmem>>) target(%dma_start3A_10 : memref<3136xf32, #tpu.memory_space<hbm>>) target_semaphore(%run_scoped3A : memref<!tpu.dma_semaphore, #tpu.memory_space<semaphore_mem>>)
      %dma_wait3A = tpu.memref_slice %arg8[%mul3A_2] : memref<100352xf32, #tpu.memory_space<hbm>> -> memref<3136xf32, #tpu.memory_space<hbm>>
      %dma_wait3A_11 = tpu.memref_slice %arg8[%mul3A_2] : memref<100352xf32, #tpu.memory_space<hbm>> -> memref<3136xf32, #tpu.memory_space<hbm>>
      tpu.wait_dma2 semaphore(%run_scoped3A : memref<!tpu.dma_semaphore, #tpu.memory_space<semaphore_mem>>) src(%arg17 : memref<3136xf32, #tpu.memory_space<vmem>>) dst(%dma_wait3A_11 : memref<3136xf32, #tpu.memory_space<hbm>>)
      tpu.yield
    }) : () -> ()
    "tpu.region"() ({
      %run_scoped3A = tpu.sem_alloc : memref<!tpu.dma_semaphore, #tpu.memory_space<semaphore_mem>>
      %dma_start3A = tpu.memref_slice %arg9[%mul3A_2] : memref<100352xf32, #tpu.memory_space<hbm>> -> memref<3136xf32, #tpu.memory_space<hbm>>
      %dma_start3A_10 = tpu.memref_slice %arg9[%mul3A_2] : memref<100352xf32, #tpu.memory_space<hbm>> -> memref<3136xf32, #tpu.memory_space<hbm>>
      tpu.enqueue_dma source(%arg18 : memref<3136xf32, #tpu.memory_space<vmem>>) target(%dma_start3A_10 : memref<3136xf32, #tpu.memory_space<hbm>>) target_semaphore(%run_scoped3A : memref<!tpu.dma_semaphore, #tpu.memory_space<semaphore_mem>>)
      %dma_wait3A = tpu.memref_slice %arg9[%mul3A_2] : memref<100352xf32, #tpu.memory_space<hbm>> -> memref<3136xf32, #tpu.memory_space<hbm>>
      %dma_wait3A_11 = tpu.memref_slice %arg9[%mul3A_2] : memref<100352xf32, #tpu.memory_space<hbm>> -> memref<3136xf32, #tpu.memory_space<hbm>>
      tpu.wait_dma2 semaphore(%run_scoped3A : memref<!tpu.dma_semaphore, #tpu.memory_space<semaphore_mem>>) src(%arg18 : memref<3136xf32, #tpu.memory_space<vmem>>) dst(%dma_wait3A_11 : memref<3136xf32, #tpu.memory_space<hbm>>)
      tpu.yield
    }) : () -> ()
    "tpu.region"() ({
      %run_scoped3A = tpu.sem_alloc : memref<!tpu.dma_semaphore, #tpu.memory_space<semaphore_mem>>
      %dma_start3A = tpu.memref_slice %arg10[%mul3A_2] : memref<100352xf32, #tpu.memory_space<hbm>> -> memref<3136xf32, #tpu.memory_space<hbm>>
      %dma_start3A_10 = tpu.memref_slice %arg10[%mul3A_2] : memref<100352xf32, #tpu.memory_space<hbm>> -> memref<3136xf32, #tpu.memory_space<hbm>>
      tpu.enqueue_dma source(%arg19 : memref<3136xf32, #tpu.memory_space<vmem>>) target(%dma_start3A_10 : memref<3136xf32, #tpu.memory_space<hbm>>) target_semaphore(%run_scoped3A : memref<!tpu.dma_semaphore, #tpu.memory_space<semaphore_mem>>)
      %dma_wait3A = tpu.memref_slice %arg10[%mul3A_2] : memref<100352xf32, #tpu.memory_space<hbm>> -> memref<3136xf32, #tpu.memory_space<hbm>>
      %dma_wait3A_11 = tpu.memref_slice %arg10[%mul3A_2] : memref<100352xf32, #tpu.memory_space<hbm>> -> memref<3136xf32, #tpu.memory_space<hbm>>
      tpu.wait_dma2 semaphore(%run_scoped3A : memref<!tpu.dma_semaphore, #tpu.memory_space<semaphore_mem>>) src(%arg19 : memref<3136xf32, #tpu.memory_space<vmem>>) dst(%dma_wait3A_11 : memref<3136xf32, #tpu.memory_space<hbm>>)
      tpu.yield
    }) : () -> ()
    return
  }
}

module attributes {stable_mosaic.version = 14 : i64} {
  func.func @_tc_solve_body(%arg0: memref<256x128xf32, #tpu.memory_space<vmem>>, %arg1: memref<48x256xf32, #tpu.memory_space<vmem>>, %arg2: memref<48x256xf32, #tpu.memory_space<vmem>>, %arg3: memref<256x128xf32, #tpu.memory_space<vmem>>, %arg4: memref<256x128xf32, #tpu.memory_space<vmem>>, %arg5: memref<256x128xf32, #tpu.memory_space<vmem>>, %arg6: memref<256x128xf32, #tpu.memory_space<vmem>>, %arg7: memref<256x128xf32, #tpu.memory_space<vmem>>, %arg8: memref<256x128xf32, #tpu.memory_space<vmem>>, %arg9: memref<256x256xf32, #tpu.memory_space<vmem>>, %arg10: memref<8x256xf32, #tpu.memory_space<vmem>>, %arg11: memref<48x256xf32, #tpu.memory_space<vmem>>, %arg12: memref<256x128xf32, #tpu.memory_space<vmem>>, %arg13: memref<256x128xf32, #tpu.memory_space<vmem>>, %arg14: memref<48x128xf32, #tpu.memory_space<vmem>>, %arg15: memref<48x128xf32, #tpu.memory_space<vmem>>, %arg16: memref<48x128xf32, #tpu.memory_space<vmem>>, %arg17: memref<48x128xf32, #tpu.memory_space<vmem>>, %arg18: memref<48x128xf32, #tpu.memory_space<vmem>>, %arg19: memref<48x128xf32, #tpu.memory_space<vmem>>) attributes {dimension_semantics = [], scalar_prefetch = 0 : i64, scratch_operands = 0 : i64, tpu.core_type = #tpu.core_type<tc>} {
    %get3A = arith.constant 0 : index
    %get3A_0 = arith.constant 0 : index
    %get3A_1 = vector.load %arg1[%get3A, %get3A_0] : memref<48x256xf32, #tpu.memory_space<vmem>>, vector<48x256xf32>
    %neg3A = arith.constant 0.000000e+00 : f32
    %neg3A_2 = vector.broadcast %neg3A : f32 to vector<48x256xf32>
    %neg3A_3 = arith.subf %neg3A_2, %get3A_1 : vector<48x256xf32>
    %exp3A = math.exp %neg3A_3 : vector<48x256xf32>
    %add3A = arith.constant 1.000000e+00 : f32
    %add3A_4 = vector.broadcast %add3A : f32 to vector<48x256xf32>
    %add3A_5 = arith.addf %add3A_4, %exp3A : vector<48x256xf32>
    %div3A = arith.constant 6.000000e-01 : f32
    %div3A_6 = vector.broadcast %div3A : f32 to vector<48x256xf32>
    %div3A_7 = arith.divf %div3A_6, %add3A_5 : vector<48x256xf32>
    %add3A_8 = arith.constant 2.000000e-01 : f32
    %add3A_9 = vector.broadcast %add3A_8 : f32 to vector<48x256xf32>
    %add3A_10 = arith.addf %add3A_9, %div3A_7 : vector<48x256xf32>
    %get3A_11 = arith.constant 0 : index
    %get3A_12 = arith.constant 0 : index
    %get3A_13 = vector.load %arg2[%get3A_11, %get3A_12] : memref<48x256xf32, #tpu.memory_space<vmem>>, vector<48x256xf32>
    %neg3A_14 = arith.constant 0.000000e+00 : f32
    %neg3A_15 = vector.broadcast %neg3A_14 : f32 to vector<48x256xf32>
    %neg3A_16 = arith.subf %neg3A_15, %get3A_13 : vector<48x256xf32>
    %exp3A_17 = math.exp %neg3A_16 : vector<48x256xf32>
    %add3A_18 = arith.constant 1.000000e+00 : f32
    %add3A_19 = vector.broadcast %add3A_18 : f32 to vector<48x256xf32>
    %add3A_20 = arith.addf %add3A_19, %exp3A_17 : vector<48x256xf32>
    %div3A_21 = arith.constant 6.000000e-01 : f32
    %div3A_22 = vector.broadcast %div3A_21 : f32 to vector<48x256xf32>
    %div3A_23 = arith.divf %div3A_22, %add3A_20 : vector<48x256xf32>
    %add3A_24 = arith.constant 2.000000e-01 : f32
    %add3A_25 = vector.broadcast %add3A_24 : f32 to vector<48x256xf32>
    %add3A_26 = arith.addf %add3A_25, %div3A_23 : vector<48x256xf32>
    %get3A_27 = arith.constant 0 : index
    %get3A_28 = arith.constant 0 : index
    %get3A_29 = vector.load %arg3[%get3A_27, %get3A_28] : memref<256x128xf32, #tpu.memory_space<vmem>>, vector<256x128xf32>
    %dot_general3A = arith.constant dense<0.000000e+00> : vector<48x128xf32>
    %dot_general3A_30 = tpu.matmul %add3A_10, %get3A_29, %dot_general3A {dimension_numbers = #tpu.dot_dimension_numbers<[1], [0], [0], [1], [0, 0, 1, 1], [], []>, transpose_lhs_hint = false} : vector<48x256xf32>, vector<256x128xf32>, vector<48x128xf32> -> vector<48x128xf32>
    %get3A_31 = arith.constant 0 : index
    %get3A_32 = arith.constant 0 : index
    %get3A_33 = vector.load %arg7[%get3A_31, %get3A_32] : memref<256x128xf32, #tpu.memory_space<vmem>>, vector<256x128xf32>
    %dot_general3A_34 = arith.constant dense<0.000000e+00> : vector<48x128xf32>
    %dot_general3A_35 = tpu.matmul %add3A_10, %get3A_33, %dot_general3A_34 {dimension_numbers = #tpu.dot_dimension_numbers<[1], [0], [0], [1], [0, 0, 1, 1], [], []>, transpose_lhs_hint = false} : vector<48x256xf32>, vector<256x128xf32>, vector<48x128xf32> -> vector<48x128xf32>
    %get3A_36 = arith.constant 0 : index
    %get3A_37 = arith.constant 0 : index
    %get3A_38 = vector.load %arg5[%get3A_36, %get3A_37] : memref<256x128xf32, #tpu.memory_space<vmem>>, vector<256x128xf32>
    %dot_general3A_39 = arith.constant dense<0.000000e+00> : vector<48x128xf32>
    %dot_general3A_40 = tpu.matmul %add3A_10, %get3A_38, %dot_general3A_39 {dimension_numbers = #tpu.dot_dimension_numbers<[1], [0], [0], [1], [0, 0, 1, 1], [], []>, transpose_lhs_hint = false} : vector<48x256xf32>, vector<256x128xf32>, vector<48x128xf32> -> vector<48x128xf32>
    %get3A_41 = arith.constant 0 : index
    %get3A_42 = arith.constant 0 : index
    %get3A_43 = vector.load %arg4[%get3A_41, %get3A_42] : memref<256x128xf32, #tpu.memory_space<vmem>>, vector<256x128xf32>
    %dot_general3A_44 = arith.constant dense<0.000000e+00> : vector<48x128xf32>
    %dot_general3A_45 = tpu.matmul %add3A_26, %get3A_43, %dot_general3A_44 {dimension_numbers = #tpu.dot_dimension_numbers<[1], [0], [0], [1], [0, 0, 1, 1], [], []>, transpose_lhs_hint = false} : vector<48x256xf32>, vector<256x128xf32>, vector<48x128xf32> -> vector<48x128xf32>
    %get3A_46 = arith.constant 0 : index
    %get3A_47 = arith.constant 0 : index
    %get3A_48 = vector.load %arg8[%get3A_46, %get3A_47] : memref<256x128xf32, #tpu.memory_space<vmem>>, vector<256x128xf32>
    %dot_general3A_49 = arith.constant dense<0.000000e+00> : vector<48x128xf32>
    %dot_general3A_50 = tpu.matmul %add3A_26, %get3A_48, %dot_general3A_49 {dimension_numbers = #tpu.dot_dimension_numbers<[1], [0], [0], [1], [0, 0, 1, 1], [], []>, transpose_lhs_hint = false} : vector<48x256xf32>, vector<256x128xf32>, vector<48x128xf32> -> vector<48x128xf32>
    %roll3A = arith.constant 1 : i32
    %roll3A_51 = tpu.dynamic_rotate %dot_general3A_50 by %roll3A dim 0 : vector<48x128xf32>, i32 -> vector<48x128xf32>
    %get3A_52 = arith.constant 0 : index
    %get3A_53 = arith.constant 0 : index
    %get3A_54 = vector.load %arg6[%get3A_52, %get3A_53] : memref<256x128xf32, #tpu.memory_space<vmem>>, vector<256x128xf32>
    %dot_general3A_55 = arith.constant dense<0.000000e+00> : vector<48x128xf32>
    %dot_general3A_56 = tpu.matmul %add3A_26, %get3A_54, %dot_general3A_55 {dimension_numbers = #tpu.dot_dimension_numbers<[1], [0], [0], [1], [0, 0, 1, 1], [], []>, transpose_lhs_hint = false} : vector<48x256xf32>, vector<256x128xf32>, vector<48x128xf32> -> vector<48x128xf32>
    %roll3A_57 = arith.constant 1 : i32
    %roll3A_58 = tpu.dynamic_rotate %dot_general3A_56 by %roll3A_57 dim 0 : vector<48x128xf32>, i32 -> vector<48x128xf32>
    %add3A_59 = arith.addf %dot_general3A_30, %dot_general3A_45 : vector<48x128xf32>
    %add3A_60 = arith.addf %add3A_59, %dot_general3A_40 : vector<48x128xf32>
    %add3A_61 = arith.addf %add3A_60, %roll3A_58 : vector<48x128xf32>
    %add3A_62 = arith.addf %add3A_61, %dot_general3A_35 : vector<48x128xf32>
    %add3A_63 = arith.addf %add3A_62, %roll3A_51 : vector<48x128xf32>
    %gt3A = arith.constant 0.000000e+00 : f32
    %gt3A_64 = vector.broadcast %gt3A : f32 to vector<48x128xf32>
    %gt3A_65 = arith.cmpf ogt, %add3A_63, %gt3A_64 : vector<48x128xf32>
    %max3A = arith.constant 9.99999968E-21 : f32
    %max3A_66 = vector.broadcast %max3A : f32 to vector<48x128xf32>
    %max3A_67 = arith.maximumf %add3A_63, %max3A_66 : vector<48x128xf32>
    %div3A_68 = arith.constant 1.000000e+00 : f32
    %div3A_69 = vector.broadcast %div3A_68 : f32 to vector<48x128xf32>
    %div3A_70 = arith.divf %div3A_69, %max3A_67 : vector<48x128xf32>
    %jit3A = arith.constant 0.000000e+00 : f32
    %broadcast_in_dim3A = vector.broadcast %jit3A : f32 to vector<48x128xf32>
    %select_n3A = arith.select %gt3A_65, %div3A_70, %broadcast_in_dim3A : vector<48x128xi1>, vector<48x128xf32>
    %get3A_71 = arith.constant 0 : index
    %get3A_72 = arith.constant 0 : index
    %get3A_73 = vector.load %arg14[%get3A_71, %get3A_72] : memref<48x128xf32, #tpu.memory_space<vmem>>, vector<48x128xf32>
    %get3A_74 = arith.constant 0 : index
    %get3A_75 = arith.constant 0 : index
    %get3A_76 = vector.load %arg0[%get3A_74, %get3A_75] : memref<256x128xf32, #tpu.memory_space<vmem>>, vector<256x128xf32>
    %neg3A_77 = arith.constant 0.000000e+00 : f32
    %neg3A_78 = vector.broadcast %neg3A_77 : f32 to vector<256x128xf32>
    %neg3A_79 = arith.subf %neg3A_78, %get3A_76 : vector<256x128xf32>
    %exp3A_80 = math.exp %neg3A_79 : vector<256x128xf32>
    %add3A_81 = arith.constant 1.000000e+00 : f32
    %add3A_82 = vector.broadcast %add3A_81 : f32 to vector<256x128xf32>
    %add3A_83 = arith.addf %add3A_82, %exp3A_80 : vector<256x128xf32>
    %div3A_84 = arith.constant 6.000000e-01 : f32
    %div3A_85 = vector.broadcast %div3A_84 : f32 to vector<256x128xf32>
    %div3A_86 = arith.divf %div3A_85, %add3A_83 : vector<256x128xf32>
    %add3A_87 = arith.constant 2.000000e-01 : f32
    %add3A_88 = vector.broadcast %add3A_87 : f32 to vector<256x128xf32>
    %add3A_89 = arith.addf %add3A_88, %div3A_86 : vector<256x128xf32>
    %get3A_90 = arith.constant 0 : index
    %get3A_91 = arith.constant 0 : index
    %get3A_92 = vector.load %arg9[%get3A_90, %get3A_91] : memref<256x256xf32, #tpu.memory_space<vmem>>, vector<256x256xf32>
    %dot_general3A_93 = arith.constant dense<0.000000e+00> : vector<256x128xf32>
    %dot_general3A_94 = tpu.matmul %get3A_92, %add3A_89, %dot_general3A_93 {dimension_numbers = #tpu.dot_dimension_numbers<[1], [0], [0], [1], [0, 0, 1, 1], [], []>, transpose_lhs_hint = false} : vector<256x256xf32>, vector<256x128xf32>, vector<256x128xf32> -> vector<256x128xf32>
    %get3A_95 = arith.constant 0 : index
    %get3A_96 = arith.constant 0 : index
    %get3A_97 = vector.load %arg10[%get3A_95, %get3A_96] : memref<8x256xf32, #tpu.memory_space<vmem>>, vector<8x256xf32>
    %dot_general3A_98 = arith.constant dense<0.000000e+00> : vector<8x128xf32>
    %dot_general3A_99 = tpu.matmul %get3A_97, %add3A_89, %dot_general3A_98 {dimension_numbers = #tpu.dot_dimension_numbers<[1], [0], [0], [1], [0, 0, 1, 1], [], []>, transpose_lhs_hint = false} : vector<8x256xf32>, vector<256x128xf32>, vector<8x128xf32> -> vector<8x128xf32>
    %slice3A = vector.extract_strided_slice %dot_general3A_99 {offsets = [0, 0], sizes = [1, 128], strides = [1, 1]} : vector<8x128xf32> to vector<1x128xf32>
    %mul3A = arith.constant 6.28318548 : f32
    %mul3A_100 = vector.broadcast %mul3A : f32 to vector<256x128xf32>
    %mul3A_101 = arith.mulf %dot_general3A_94, %mul3A_100 : vector<256x128xf32>
    %div3A_102 = vector.broadcast %slice3A : vector<1x128xf32> to vector<256x128xf32>
    %div3A_103 = arith.divf %mul3A_101, %div3A_102 : vector<256x128xf32>
    %cos3A = math.cos %div3A_103 : vector<256x128xf32>
    %mul3A_104 = arith.constant 1.000000e+00 : f32
    %mul3A_105 = vector.broadcast %mul3A_104 : f32 to vector<256x128xf32>
    %mul3A_106 = arith.mulf %cos3A, %mul3A_105 : vector<256x128xf32>
    %sin3A = math.sin %div3A_103 : vector<256x128xf32>
    %mul3A_107 = arith.constant 1.000000e+00 : f32
    %mul3A_108 = vector.broadcast %mul3A_107 : f32 to vector<256x128xf32>
    %mul3A_109 = arith.mulf %sin3A, %mul3A_108 : vector<256x128xf32>
    %get3A_110 = arith.constant 0 : index
    %get3A_111 = arith.constant 0 : index
    %get3A_112 = vector.load %arg12[%get3A_110, %get3A_111] : memref<256x128xf32, #tpu.memory_space<vmem>>, vector<256x128xf32>
    %mul3A_113 = arith.mulf %get3A_112, %mul3A_106 : vector<256x128xf32>
    %get3A_114 = arith.constant 0 : index
    %get3A_115 = arith.constant 0 : index
    %get3A_116 = vector.load %arg13[%get3A_114, %get3A_115] : memref<256x128xf32, #tpu.memory_space<vmem>>, vector<256x128xf32>
    %mul3A_117 = arith.mulf %get3A_116, %mul3A_109 : vector<256x128xf32>
    %add3A_118 = arith.addf %mul3A_113, %mul3A_117 : vector<256x128xf32>
    %get3A_119 = arith.constant 0 : index
    %get3A_120 = arith.constant 0 : index
    %get3A_121 = vector.load %arg11[%get3A_119, %get3A_120] : memref<48x256xf32, #tpu.memory_space<vmem>>, vector<48x256xf32>
    %dot_general3A_122 = arith.constant dense<0.000000e+00> : vector<48x128xf32>
    %dot_general3A_123 = tpu.matmul %get3A_121, %add3A_118, %dot_general3A_122 {dimension_numbers = #tpu.dot_dimension_numbers<[1], [0], [0], [1], [0, 0, 1, 1], [], []>, transpose_lhs_hint = false} : vector<48x256xf32>, vector<256x128xf32>, vector<48x128xf32> -> vector<48x128xf32>
    %get3A_124 = arith.constant 0 : index
    %get3A_125 = arith.constant 0 : index
    %get3A_126 = vector.load %arg15[%get3A_124, %get3A_125] : memref<48x128xf32, #tpu.memory_space<vmem>>, vector<48x128xf32>
    %get3A_127 = arith.constant 0 : index
    %get3A_128 = arith.constant 0 : index
    %get3A_129 = vector.load %arg16[%get3A_127, %get3A_128] : memref<48x128xf32, #tpu.memory_space<vmem>>, vector<48x128xf32>
    %get3A_130 = arith.constant 0 : index
    %get3A_131 = arith.constant 0 : index
    %get3A_132 = vector.load %arg17[%get3A_130, %get3A_131] : memref<48x128xf32, #tpu.memory_space<vmem>>, vector<48x128xf32>
    %get3A_133 = arith.constant 0 : index
    %get3A_134 = arith.constant 0 : index
    %get3A_135 = vector.load %arg18[%get3A_133, %get3A_134] : memref<48x128xf32, #tpu.memory_space<vmem>>, vector<48x128xf32>
    %slice3A_136 = vector.extract_strided_slice %dot_general3A_123 {offsets = [0, 0], sizes = [1, 128], strides = [1, 1]} : vector<48x128xf32> to vector<1x128xf32>
    %slice3A_137 = vector.extract_strided_slice %dot_general3A_123 {offsets = [47, 0], sizes = [1, 128], strides = [1, 1]} : vector<48x128xf32> to vector<1x128xf32>
    %slice3A_138 = vector.extract_strided_slice %dot_general3A_123 {offsets = [0, 0], sizes = [48, 1], strides = [1, 1]} : vector<48x128xf32> to vector<48x1xf32>
    %mul3A_139 = vector.broadcast %slice3A_138 : vector<48x1xf32> to vector<48x128xf32>
    %mul3A_140 = arith.mulf %mul3A_139, %get3A_132 : vector<48x128xf32>
    %slice3A_141 = vector.extract_strided_slice %dot_general3A_123 {offsets = [0, 64], sizes = [48, 1], strides = [1, 1]} : vector<48x128xf32> to vector<48x1xf32>
    %mul3A_142 = vector.broadcast %slice3A_141 : vector<48x1xf32> to vector<48x128xf32>
    %mul3A_143 = arith.mulf %mul3A_142, %get3A_135 : vector<48x128xf32>
    %add3A_144 = arith.addf %mul3A_140, %mul3A_143 : vector<48x128xf32>
    %slice3A_145 = vector.extract_strided_slice %dot_general3A_123 {offsets = [0, 47], sizes = [48, 1], strides = [1, 1]} : vector<48x128xf32> to vector<48x1xf32>
    %mul3A_146 = vector.broadcast %slice3A_145 : vector<48x1xf32> to vector<48x128xf32>
    %mul3A_147 = arith.mulf %mul3A_146, %get3A_132 : vector<48x128xf32>
    %slice3A_148 = vector.extract_strided_slice %dot_general3A_123 {offsets = [0, 111], sizes = [48, 1], strides = [1, 1]} : vector<48x128xf32> to vector<48x1xf32>
    %mul3A_149 = vector.broadcast %slice3A_148 : vector<48x1xf32> to vector<48x128xf32>
    %mul3A_150 = arith.mulf %mul3A_149, %get3A_135 : vector<48x128xf32>
    %add3A_151 = arith.addf %mul3A_147, %mul3A_150 : vector<48x128xf32>
    %slice3A_152 = vector.extract_strided_slice %dot_general3A_123 {offsets = [0, 0], sizes = [1, 1], strides = [1, 1]} : vector<48x128xf32> to vector<1x1xf32>
    %mul3A_153 = vector.broadcast %slice3A_152 : vector<1x1xf32> to vector<48x128xf32>
    %mul3A_154 = arith.mulf %mul3A_153, %get3A_132 : vector<48x128xf32>
    %slice3A_155 = vector.extract_strided_slice %dot_general3A_123 {offsets = [0, 64], sizes = [1, 1], strides = [1, 1]} : vector<48x128xf32> to vector<1x1xf32>
    %mul3A_156 = vector.broadcast %slice3A_155 : vector<1x1xf32> to vector<48x128xf32>
    %mul3A_157 = arith.mulf %mul3A_156, %get3A_135 : vector<48x128xf32>
    %add3A_158 = arith.addf %mul3A_154, %mul3A_157 : vector<48x128xf32>
    %slice3A_159 = vector.extract_strided_slice %dot_general3A_123 {offsets = [0, 47], sizes = [1, 1], strides = [1, 1]} : vector<48x128xf32> to vector<1x1xf32>
    %mul3A_160 = vector.broadcast %slice3A_159 : vector<1x1xf32> to vector<48x128xf32>
    %mul3A_161 = arith.mulf %mul3A_160, %get3A_132 : vector<48x128xf32>
    %slice3A_162 = vector.extract_strided_slice %dot_general3A_123 {offsets = [0, 111], sizes = [1, 1], strides = [1, 1]} : vector<48x128xf32> to vector<1x1xf32>
    %mul3A_163 = vector.broadcast %slice3A_162 : vector<1x1xf32> to vector<48x128xf32>
    %mul3A_164 = arith.mulf %mul3A_163, %get3A_135 : vector<48x128xf32>
    %add3A_165 = arith.addf %mul3A_161, %mul3A_164 : vector<48x128xf32>
    %slice3A_166 = vector.extract_strided_slice %dot_general3A_123 {offsets = [47, 0], sizes = [1, 1], strides = [1, 1]} : vector<48x128xf32> to vector<1x1xf32>
    %mul3A_167 = vector.broadcast %slice3A_166 : vector<1x1xf32> to vector<48x128xf32>
    %mul3A_168 = arith.mulf %mul3A_167, %get3A_132 : vector<48x128xf32>
    %slice3A_169 = vector.extract_strided_slice %dot_general3A_123 {offsets = [47, 64], sizes = [1, 1], strides = [1, 1]} : vector<48x128xf32> to vector<1x1xf32>
    %mul3A_170 = vector.broadcast %slice3A_169 : vector<1x1xf32> to vector<48x128xf32>
    %mul3A_171 = arith.mulf %mul3A_170, %get3A_135 : vector<48x128xf32>
    %add3A_172 = arith.addf %mul3A_168, %mul3A_171 : vector<48x128xf32>
    %slice3A_173 = vector.extract_strided_slice %dot_general3A_123 {offsets = [47, 47], sizes = [1, 1], strides = [1, 1]} : vector<48x128xf32> to vector<1x1xf32>
    %mul3A_174 = vector.broadcast %slice3A_173 : vector<1x1xf32> to vector<48x128xf32>
    %mul3A_175 = arith.mulf %mul3A_174, %get3A_132 : vector<48x128xf32>
    %slice3A_176 = vector.extract_strided_slice %dot_general3A_123 {offsets = [47, 111], sizes = [1, 1], strides = [1, 1]} : vector<48x128xf32> to vector<1x1xf32>
    %mul3A_177 = vector.broadcast %slice3A_176 : vector<1x1xf32> to vector<48x128xf32>
    %mul3A_178 = arith.mulf %mul3A_177, %get3A_135 : vector<48x128xf32>
    %add3A_179 = arith.addf %mul3A_175, %mul3A_178 : vector<48x128xf32>
    %sub3A = arith.constant 1.000000e+00 : f32
    %sub3A_180 = vector.broadcast %sub3A : f32 to vector<48x128xf32>
    %sub3A_181 = arith.subf %sub3A_180, %get3A_126 : vector<48x128xf32>
    %mul3A_182 = vector.broadcast %slice3A_136 : vector<1x128xf32> to vector<48x128xf32>
    %mul3A_183 = arith.mulf %sub3A_181, %mul3A_182 : vector<48x128xf32>
    %mul3A_184 = vector.broadcast %slice3A_137 : vector<1x128xf32> to vector<48x128xf32>
    %mul3A_185 = arith.mulf %get3A_126, %mul3A_184 : vector<48x128xf32>
    %add3A_186 = arith.addf %mul3A_183, %mul3A_185 : vector<48x128xf32>
    %sub3A_187 = arith.constant 1.000000e+00 : f32
    %sub3A_188 = vector.broadcast %sub3A_187 : f32 to vector<48x128xf32>
    %sub3A_189 = arith.subf %sub3A_188, %get3A_129 : vector<48x128xf32>
    %mul3A_190 = arith.mulf %sub3A_189, %add3A_144 : vector<48x128xf32>
    %add3A_191 = arith.addf %add3A_186, %mul3A_190 : vector<48x128xf32>
    %mul3A_192 = arith.mulf %get3A_129, %add3A_151 : vector<48x128xf32>
    %add3A_193 = arith.addf %add3A_191, %mul3A_192 : vector<48x128xf32>
    %sub3A_194 = arith.constant 1.000000e+00 : f32
    %sub3A_195 = vector.broadcast %sub3A_194 : f32 to vector<48x128xf32>
    %sub3A_196 = arith.subf %sub3A_195, %get3A_126 : vector<48x128xf32>
    %sub3A_197 = arith.constant 1.000000e+00 : f32
    %sub3A_198 = vector.broadcast %sub3A_197 : f32 to vector<48x128xf32>
    %sub3A_199 = arith.subf %sub3A_198, %get3A_129 : vector<48x128xf32>
    %mul3A_200 = arith.mulf %sub3A_199, %add3A_158 : vector<48x128xf32>
    %mul3A_201 = arith.mulf %get3A_129, %add3A_165 : vector<48x128xf32>
    %add3A_202 = arith.addf %mul3A_200, %mul3A_201 : vector<48x128xf32>
    %mul3A_203 = arith.mulf %sub3A_196, %add3A_202 : vector<48x128xf32>
    %sub3A_204 = arith.constant 1.000000e+00 : f32
    %sub3A_205 = vector.broadcast %sub3A_204 : f32 to vector<48x128xf32>
    %sub3A_206 = arith.subf %sub3A_205, %get3A_129 : vector<48x128xf32>
    %mul3A_207 = arith.mulf %sub3A_206, %add3A_172 : vector<48x128xf32>
    %mul3A_208 = arith.mulf %get3A_129, %add3A_179 : vector<48x128xf32>
    %add3A_209 = arith.addf %mul3A_207, %mul3A_208 : vector<48x128xf32>
    %mul3A_210 = arith.mulf %get3A_126, %add3A_209 : vector<48x128xf32>
    %add3A_211 = arith.addf %mul3A_203, %mul3A_210 : vector<48x128xf32>
    %sub3A_212 = arith.subf %add3A_193, %add3A_211 : vector<48x128xf32>
    %get3A_213 = arith.constant 0 : index
    %get3A_214 = arith.constant 0 : index
    %get3A_215 = vector.load %arg14[%get3A_213, %get3A_214] : memref<48x128xf32, #tpu.memory_space<vmem>>, vector<48x128xf32>
    %sub3A_216 = arith.subf %sub3A_212, %dot_general3A_123 : vector<48x128xf32>
    %mul3A_217 = arith.mulf %get3A_215, %sub3A_216 : vector<48x128xf32>
    %add3A_218 = arith.addf %dot_general3A_123, %mul3A_217 : vector<48x128xf32>
    %roll3A_219 = arith.constant 47 : i32
    %roll3A_220 = tpu.dynamic_rotate %add3A_218 by %roll3A_219 dim 0 : vector<48x128xf32>, i32 -> vector<48x128xf32>
    %roll3A_221 = arith.constant 1 : i32
    %roll3A_222 = tpu.dynamic_rotate %add3A_218 by %roll3A_221 dim 0 : vector<48x128xf32>, i32 -> vector<48x128xf32>
    %roll3A_223 = arith.constant 127 : i32
    %roll3A_224 = tpu.dynamic_rotate %add3A_218 by %roll3A_223 dim 1 : vector<48x128xf32>, i32 -> vector<48x128xf32>
    %mul3A_225 = arith.mulf %dot_general3A_30, %roll3A_224 : vector<48x128xf32>
    %roll3A_226 = arith.constant 1 : i32
    %roll3A_227 = tpu.dynamic_rotate %add3A_218 by %roll3A_226 dim 1 : vector<48x128xf32>, i32 -> vector<48x128xf32>
    %mul3A_228 = arith.mulf %dot_general3A_45, %roll3A_227 : vector<48x128xf32>
    %add3A_229 = arith.addf %mul3A_225, %mul3A_228 : vector<48x128xf32>
    %mul3A_230 = arith.mulf %dot_general3A_40, %roll3A_220 : vector<48x128xf32>
    %add3A_231 = arith.addf %add3A_229, %mul3A_230 : vector<48x128xf32>
    %mul3A_232 = arith.mulf %roll3A_58, %roll3A_222 : vector<48x128xf32>
    %add3A_233 = arith.addf %add3A_231, %mul3A_232 : vector<48x128xf32>
    %roll3A_234 = arith.constant 1 : i32
    %roll3A_235 = tpu.dynamic_rotate %roll3A_220 by %roll3A_234 dim 1 : vector<48x128xf32>, i32 -> vector<48x128xf32>
    %mul3A_236 = arith.mulf %dot_general3A_35, %roll3A_235 : vector<48x128xf32>
    %add3A_237 = arith.addf %add3A_233, %mul3A_236 : vector<48x128xf32>
    %roll3A_238 = arith.constant 127 : i32
    %roll3A_239 = tpu.dynamic_rotate %roll3A_222 by %roll3A_238 dim 1 : vector<48x128xf32>, i32 -> vector<48x128xf32>
    %mul3A_240 = arith.mulf %roll3A_51, %roll3A_239 : vector<48x128xf32>
    %add3A_241 = arith.addf %add3A_237, %mul3A_240 : vector<48x128xf32>
    %mul3A_242 = arith.mulf %add3A_241, %select_n3A : vector<48x128xf32>
    %sub3A_243 = arith.subf %mul3A_242, %add3A_218 : vector<48x128xf32>
    %mul3A_244 = arith.mulf %get3A_73, %sub3A_243 : vector<48x128xf32>
    %add3A_245 = arith.addf %add3A_218, %mul3A_244 : vector<48x128xf32>
    %scan3A = arith.constant 0.993012249 : f32
    %scan3A_246 = arith.constant 1.000000e+00 : f32
    %scan3A_247 = arith.constant 2 : i32
    %scan3A_248 = arith.constant 95 : i32
    %scan3A_249 = arith.addi %scan3A_247, %scan3A_248 : i32
    %scan3A_250 = arith.constant 1 : i32
    %scan3A_251:3 = scf.for %scan3A_255 = %scan3A_247 to %scan3A_249 step %scan3A_250 iter_args(%scan3A_256 = %add3A_218, %scan3A_257 = %add3A_245, %scan3A_258 = %scan3A_246) -> (vector<48x128xf32>, vector<48x128xf32>, f32)  : i32 {
      %eq3A = arith.constant 2 : i32
      %eq3A_259 = arith.cmpi eq, %scan3A_255, %eq3A : i32
      %div3A_260 = arith.constant 2.000000e+00 : f32
      %div3A_261 = arith.divf %scan3A, %div3A_260 : f32
      %sub3A_262 = arith.constant 1.000000e+00 : f32
      %sub3A_263 = arith.subf %sub3A_262, %div3A_261 : f32
      %div3A_264 = arith.constant 1.000000e+00 : f32
      %div3A_265 = arith.divf %div3A_264, %sub3A_263 : f32
      %mul3A_266 = arith.mulf %scan3A_258, %scan3A : f32
      %div3A_267 = arith.constant 4.000000e+00 : f32
      %div3A_268 = arith.divf %mul3A_266, %div3A_267 : f32
      %sub3A_269 = arith.constant 1.000000e+00 : f32
      %sub3A_270 = arith.subf %sub3A_269, %div3A_268 : f32
      %div3A_271 = arith.constant 1.000000e+00 : f32
      %div3A_272 = arith.divf %div3A_271, %sub3A_270 : f32
      %select_n3A_273 = arith.select %eq3A_259, %div3A_265, %div3A_272 : f32
      %roll3A_274 = arith.constant 47 : i32
      %roll3A_275 = tpu.dynamic_rotate %scan3A_257 by %roll3A_274 dim 0 : vector<48x128xf32>, i32 -> vector<48x128xf32>
      %roll3A_276 = arith.constant 1 : i32
      %roll3A_277 = tpu.dynamic_rotate %scan3A_257 by %roll3A_276 dim 0 : vector<48x128xf32>, i32 -> vector<48x128xf32>
      %roll3A_278 = arith.constant 127 : i32
      %roll3A_279 = tpu.dynamic_rotate %scan3A_257 by %roll3A_278 dim 1 : vector<48x128xf32>, i32 -> vector<48x128xf32>
      %mul3A_280 = arith.mulf %dot_general3A_30, %roll3A_279 : vector<48x128xf32>
      %roll3A_281 = arith.constant 1 : i32
      %roll3A_282 = tpu.dynamic_rotate %scan3A_257 by %roll3A_281 dim 1 : vector<48x128xf32>, i32 -> vector<48x128xf32>
      %mul3A_283 = arith.mulf %dot_general3A_45, %roll3A_282 : vector<48x128xf32>
      %add3A_284 = arith.addf %mul3A_280, %mul3A_283 : vector<48x128xf32>
      %mul3A_285 = arith.mulf %dot_general3A_40, %roll3A_275 : vector<48x128xf32>
      %add3A_286 = arith.addf %add3A_284, %mul3A_285 : vector<48x128xf32>
      %mul3A_287 = arith.mulf %roll3A_58, %roll3A_277 : vector<48x128xf32>
      %add3A_288 = arith.addf %add3A_286, %mul3A_287 : vector<48x128xf32>
      %roll3A_289 = arith.constant 1 : i32
      %roll3A_290 = tpu.dynamic_rotate %roll3A_275 by %roll3A_289 dim 1 : vector<48x128xf32>, i32 -> vector<48x128xf32>
      %mul3A_291 = arith.mulf %dot_general3A_35, %roll3A_290 : vector<48x128xf32>
      %add3A_292 = arith.addf %add3A_288, %mul3A_291 : vector<48x128xf32>
      %roll3A_293 = arith.constant 127 : i32
      %roll3A_294 = tpu.dynamic_rotate %roll3A_277 by %roll3A_293 dim 1 : vector<48x128xf32>, i32 -> vector<48x128xf32>
      %mul3A_295 = arith.mulf %roll3A_51, %roll3A_294 : vector<48x128xf32>
      %add3A_296 = arith.addf %add3A_292, %mul3A_295 : vector<48x128xf32>
      %mul3A_297 = arith.mulf %add3A_296, %select_n3A : vector<48x128xf32>
      %sub3A_298 = arith.subf %mul3A_297, %scan3A_257 : vector<48x128xf32>
      %mul3A_299 = arith.mulf %get3A_73, %sub3A_298 : vector<48x128xf32>
      %add3A_300 = arith.addf %scan3A_257, %mul3A_299 : vector<48x128xf32>
      %sub3A_301 = arith.subf %add3A_300, %scan3A_256 : vector<48x128xf32>
      %mul3A_302 = vector.broadcast %select_n3A_273 : f32 to vector<48x128xf32>
      %mul3A_303 = arith.mulf %mul3A_302, %sub3A_301 : vector<48x128xf32>
      %add3A_304 = arith.addf %mul3A_303, %scan3A_256 : vector<48x128xf32>
      scf.yield %scan3A_257, %add3A_304, %select_n3A_273 : vector<48x128xf32>, vector<48x128xf32>, f32
    }
    %scan3A_252 = arith.constant 95 : i32
    %swap3A = arith.constant 0 : index
    %swap3A_253 = arith.constant 0 : index
    %swap3A_254 = vector.load %arg19[%swap3A, %swap3A_253] : memref<48x128xf32, #tpu.memory_space<vmem>>, vector<48x128xf32>
    tpu.vector_store %arg19[%swap3A, %swap3A_253], %scan3A_251#1 {strides = array<i32>} : memref<48x128xf32, #tpu.memory_space<vmem>>, vector<48x128xf32>,
    return
  }
}

</mosaic_0001>

<sc_bundles>
// kernel: kernel.4.cloned.1.call-start
scs
__scs_entry_jumppad:
0x0: {  	(pc) =	sbr.rel $0x88, $3  }
0x1: {  	(tag) =	ssettag $0x0;
	lr =	simm.s32 $0x1  }
0x2: {  	[smem:$0x3F9E] =	sst lr;
	_ =	strace $0xD0000000  }
0x3: {  	_ = 	snop  }
0x4: {  	_ = 	snop  }
0x5: {  	_ = 	snop  }
0x6: {  	_ = 	snop  }
0x7: {  	_ = 	snop  }
__scs_overlays_trampoline_lowered:
0x8: {  	[smem:$0x3FAD] =	sst s0  }
0x9: {  	[smem:$0x3FAE] =	sst s1  }
0xa: {  	[smem:$0x3FAF] =	sst s2  }
0xb: {  	[smem:$0x3FB0] =	sst s3  }
0xc: {  	[smem:$0x3FB1] =	sst s4  }
0xd: {  	[smem:$0x3FB2] =	sst s5  }
0xe: {  	[smem:$0x3FB3] =	sst s6  }
0xf: {  	[smem:$0x3FB4] =	sst s7  }
0x10: {  	[smem:$0x3FB5] =	sst s8  }
0x11: {  	[smem:$0x3FB6] =	sst s9;
	s0 =	simm.s32 @!p0 $0x0  }
0x12: {  	s1 =	sld [smem:$0x3F9C];
	s0 =	simm.s32 @p0 $0x1  }
0x13: {  	[smem:$0x3FB7] =	sst s0;
	s0 =	simm.s32 @!p1 $0x0  }
0x14: {  	s2 =	sld [smem:$0x3F9B];
	s0 =	simm.s32 @p1 $0x1  }
0x15: {  	[smem:$0x3FB8] =	sst s0;
	s0 =	simm.s32 @!p2 $0x0  }
0x16: {  	s3 =	sld [smem:$0x3FDB];
	s0 =	simm.s32 @p2 $0x1  }
0x17: {  	s4 =	simm.s32 $0x1BF5;
	[smem:$0x3FBA] =	sst s0  }
0x18: {  	s0 =	sld [smem:$0x3F9D];
	_ =	swait.ge [sflag:s4], $0x0  }
0x19: {  	s7 =	sld [smem:$0x3F9E]  }
0x1a: {  	s8 =	sadd.s32 $0xFFFFE003, lr  }
0x1b: {  	s9 =	sadd.s32 $0xFFFFFEF7, lr;
	s5 =	simm.s32 $0xFFFFFFFF;
	p2 =	slt.u32 s8, $0xFFFFF086  }
0x1c: {  	p1 =	slt.u32 s9, $0xF7A;
	s5 =	simm.s32 @!p2 $0x0  }
0x1d: {  	s5 =	simm.s32 @p1 $0x1;
	p0 =	seq.s32 s7, s2  }
0x1e: {  	s7 =	smul.u32 @!p0 $0xF7A, s2;
	p2 =	seq.s32 @!p0 s5, $0x0  }
0x1f: {  	s9 =	smul.u32 $0xF7A, s1;
	s8 =	simm.s32 @!p0 $0x1BF5;
	p2 =	por !p2, p0  }
0x20: {  	[sflag:s8] =	ssyncset.s32 @!p0 $0xFFFFF086;
	s6 =	sadd.s32 @!p0 s3, s7;
	s7 =	simm.s32 @!p0 $0x108  }
0x21: {  	s3 =	sadd.s32 s3, s9;
	s6 =	sadd.s32 @!p0 $0x88, s6;
	s7 =	simm.s32 @p2 $0x1082  }
0x22: {  	[simem:s7], [sflag:s8] =	dma.local @!p0 [hbm:s6], $0xF7A  }
0x23: {  	s9 =	sor.u32 $0xD0000000, s2;
	s6 =	simm.s32 $0x108;
	_ =	swait.ge @!p0 [sflag:s8], $0x0  }
0x24: {  	s3 =	sadd.s32 $0x88, s3;
	s6 =	simm.s32 @!p1 $0x1082;
	[sflag:s4] =	ssyncset.s32 $0xFFFFF086  }
0x25: {  	[simem:s6], [sflag:s4] =	dma.local [hbm:s3], $0xF7A  }
0x26: {  	[smem:$0x3F9E] =	sst s1;
	(tag) =	ssettag s2;
	_ =	strace s9  }
0x27: {  	s1 =	sld [smem:$0x3FAE]  }
0x28: {  	s2 =	sld [smem:$0x3FAF]  }
0x29: {  	s4 =	sld [smem:$0x3FB1]  }
0x2a: {  	p0 =	seq.s32 s5, $0x0;
	s5 =	sld [smem:$0x3FB2]  }
0x2b: {  	s6 =	sld [smem:$0x3FB3]  }
0x2c: {  	s7 =	sld [smem:$0x3FB4]  }
0x2d: {  	s3 =	simm.s32 $0x108;
	s8 =	sld [smem:$0x3FB5]  }
0x2e: {  	s3 =	simm.s32 @!p0 $0x1082;
	s9 =	sld [smem:$0x3FB6]  }
0x2f: {  	lr =	sadd.s32 s0, s3;
	s0 =	sld [smem:$0x3FAD]  }
0x30: {  	s3 =	sld [smem:$0x3FB0]  }
0x31: {  	[smem:$0x3FB9] =	sst s10  }
0x32: {  	s10 =	sld [smem:$0x3FB7];
	_ =	sdelay $0x3  }
0x33: {  	p0 =	seq.s32 s10, $0x1;
	s10 =	sld [smem:$0x3FB9];
	_ =	sdelay $0x3  }
0x34: {  	[smem:$0x3FB9] =	sst s10  }
0x35: {  	s10 =	sld [smem:$0x3FB8];
	_ =	sdelay $0x3  }
0x36: {  	p1 =	seq.s32 s10, $0x1;
	s10 =	sld [smem:$0x3FB9];
	_ =	sdelay $0x3  }
0x37: {  	[smem:$0x3FB9] =	sst s10  }
0x38: {  	s10 =	sld [smem:$0x3FBA]  }
0x39: {  	_ = 	snop;
	(pc) =	sbr.ind lr, $3  }
0x3a: {  	_ = 	snop  }
0x3b: {  	_ = 	snop  }
0x3c: {  	p2 =	seq.s32 s10, $0x1;
	s10 =	sld [smem:$0x3FB9]  }
0x3d: {  	_ =	shalt  }
0x3e: {  	_ =	shalt  }
0x3f: {  	_ =	shalt  }
0x40: {  	_ =	shalt  }
0x41: {  	_ =	shalt  }
0x42: {  	_ =	shalt  }
0x43: {  	_ =	shalt  }
0x44: {  	_ =	shalt  }
0x45: {  	_ =	shalt  }
0x46: {  	_ =	shalt  }
0x47: {  	_ =	shalt  }
0x48: {  	_ =	shalt  }
0x49: {  	_ =	shalt  }
0x4a: {  	_ =	shalt  }
0x4b: {  	_ =	shalt  }
0x4c: {  	_ =	shalt  }
0x4d: {  	_ =	shalt  }
0x4e: {  	_ =	shalt  }
0x4f: {  	_ =	shalt  }
0x50: {  	_ =	shalt  }
0x51: {  	_ =	shalt  }
0x52: {  	_ =	shalt  }
0x53: {  	_ =	shalt  }
0x54: {  	_ =	shalt  }
0x55: {  	_ =	shalt  }
0x56: {  	_ =	shalt  }
0x57: {  	_ =	shalt  }
0x58: {  	_ =	shalt  }
0x59: {  	_ =	shalt  }
0x5a: {  	_ =	shalt  }
0x5b: {  	_ =	shalt  }
0x5c: {  	_ =	shalt  }
0x5d: {  	_ =	shalt  }
0x5e: {  	_ =	shalt  }
0x5f: {  	_ =	shalt  }
0x60: {  	_ =	shalt  }
0x61: {  	_ =	shalt  }
0x62: {  	_ =	shalt  }
0x63: {  	_ =	shalt  }
0x64: {  	_ =	shalt  }
0x65: {  	_ =	shalt  }
0x66: {  	_ =	shalt  }
0x67: {  	_ =	shalt  }
0x68: {  	_ =	shalt  }
0x69: {  	_ =	shalt  }
0x6a: {  	_ =	shalt  }
0x6b: {  	_ =	shalt  }
0x6c: {  	_ =	shalt  }
0x6d: {  	_ =	shalt  }
0x6e: {  	_ =	shalt  }
0x6f: {  	_ =	shalt  }
0x70: {  	_ =	shalt  }
0x71: {  	_ =	shalt  }
0x72: {  	_ =	shalt  }
0x73: {  	_ =	shalt  }
0x74: {  	_ =	shalt  }
0x75: {  	_ =	shalt  }
0x76: {  	_ =	shalt  }
0x77: {  	_ =	shalt  }
0x78: {  	_ =	shalt  }
0x79: {  	_ =	shalt  }
0x7a: {  	_ =	shalt  }
0x7b: {  	_ =	shalt  }
0x7c: {  	_ =	shalt  }
0x7d: {  	_ =	shalt  }
0x7e: {  	_ =	shalt  }
0x7f: {  	_ =	shalt  }
0x80: {  	_ =	shalt  }
0x81: {  	_ =	shalt  }
0x82: {  	_ =	shalt  }
0x83: {  	_ =	shalt  }
0x84: {  	_ =	shalt  }
0x85: {  	_ =	shalt  }
0x86: {  	_ =	shalt  }
0x87: {  	_ =	shalt  }
.Lfunc_end0:
.L_simem_size_0:
called_computation_lowered:
.L_overlay_start_0:
0x88: {  	s2 =	sld [smem:$0x3FD9]  }
0x89: {  	s3 =	sld [smem:$0x3FFE];
	_ =	sdelay $0x1  }
0x8a: {  	s1 =	srdreg.scid  }
0x8b: {  	s0 =	sand.u32 $0x1, s1  }
0x8c: {  	s14 =	sshll.u32 s0, $0xA;
	s2 =	sadd.s32 s3, s2  }
0x8d: {  	s2 =	sadd.s32 s2, s14  }
0x8e: {  	[smem:$0x3FC5] =	sst s2  }
0x8f: {  	_ = 	snop  }
0x90: {  	s2 =	sld [smem:$0x3FD0];
	_ =	sdelay $0x2  }
0x91: {  	s15 =	simm.s32 $0xA;
	s4 =	simm.s32 $0x10  }
0x92: {  	[smem:s4], [sflag:s15] =	dma.local [hbm:s2], $0x1  }
0x93: {  	_ =	swait.eq [sflag:s15], $0x1  }
0x94: {  	[sflag:s15] =	ssyncset.done $0x0  }
0x95: {  	s16 =	sld [smem:$0x10];
	[sflag:s15] =	ssyncadd.s32 $0xFFFFFFFF  }
0x96: {  	s17 =	sld [smem:$0x12];
	(tm) =	ssettm $0x1  }
0x97: {  	s18 =	sld [smem:$0x3FFB];
	_ =	sdelay $0x3  }
0x98: {  	_ =	strace s18  }
0x99: {  	s4 =	sld [smem:$0x3FFC];
	_ =	sdelay $0x3  }
0x9a: {  	_ =	strace s4  }
0x9b: {  	s4 =	sld [smem:$0x3FFD];
	_ =	sdelay $0x3  }
0x9c: {  	_ =	strace s4  }
0x9d: {  	_ =	strace $0x8FFFFFFF  }
0x9e: {  	s19 =	sld [smem:$0x3FDB];
	_ =	sdelay $0x1  }
0x9f: {  	s5 =	simm.s32 $_scs_section_size  }
0xa0: {  	s6 =	simm.s32 $_size__tile_overlayer_lowered;
	s7 =	simm.s32 $_tile_overlayer_lowered  }
0xa1: {  	s22 =	simm.s32 $0x1BFF;
	s21 =	sshll.u32 s7, $0x1;
	s4 =	sadd.s32 s5, s19  }
0xa2: {  	s8 =	simm.s32 $0x0;
	s20 =	sshll.u32 s6, $0x1;
	s6 =	sadd.s32 s21, s4  }
0xa3: {  	[timem:s8], [sflag:s22] =	dma.local [hbm:s6], s20  }
0xa4: {  	_ =	swait.ge [sflag:s22], s20  }
0xa5: {  	s5 =	ssub.s32 $0x0, s20;
	[sflag:s22] =	ssyncset.done $0x0  }
0xa6: {  	[sflag:s22] =	ssyncadd.s32 s5;
	_ =	sdelay $0x1  }
0xa7: {  	s23 =	simm.s32 $0x1B8B  }
0xa8: {  	_ =	swait.ge [sflag:s23], $0x1  }
0xa9: {  	[sflag:s23] =	ssyncset.done $0x0  }
0xaa: {  	s25 =	simm.s32 $0x1B8E;
	s24 =	sld [smem:$0x3FFE];
	[sflag:s23] =	ssyncadd.s32 $0xFFFFFFFF  }
0xab: {  	s26 =	simm.s32 $execute0_lowered;
	[smem:$0x3FD2] =	sst s25  }
0xac: {  	s6 =	sshll.u32 s26, $0x1;
	_ =	strace $0x80000046;
	[dreg:$0x1] =	wrdreg $0xFFFFFFFF  }
0xad: {  	s28 =	simm.s32 $_size_execute0_lowered;
	s4 =	sadd.s32 s4, s6;
	[dreg:$0x0] =	wrdreg $0x0  }
0xae: {  	s6 =	sshll.u32 s28, $0x1;
	[dreg:$0x2] =	wrdreg s4  }
0xaf: {  	[dreg:$0x3] =	wrdreg s6  }
0xb0: {  	[dreg:$0x4] =	wrdreg $0xC0  }
0xb1: {  	_ =	task [dreg:s8], $0x5FFFF  }
0xb2: {  	[dreg:$0x1] =	wrdreg $0xFFFFFFFF  }
0xb3: {  	[dreg:$0x0] =	wrdreg $0x60  }
0xb4: {  	[dreg:$0x2] =	wrdreg s16  }
0xb5: {  	[dreg:$0x3] =	wrdreg s17  }
0xb6: {  	[dreg:$0x4] =	wrdreg s24  }
0xb7: {  	[dreg:$0x5] =	wrdreg $0x9  }
0xb8: {  	_ =	task.clear_ibuf [dreg:s8], $0x6FFFF;
	_ =	strace $0x90000046  }
0xb9: {  	s29 =	simm.s32 $0x9;
	_ =	strace $0x80000048  }
0xba: {  	_ =	swait.ge [sflag:s29], $0x1  }
0xbb: {  	[sflag:s29] =	ssyncadd.s32 $0xFFFFFFFF  }
0xbc: {  	_ =	strace $0x90000048  }
0xbd: {  	_ =	sfence  }
0xbe: {  	s30 =	sld [smem:$0x0];
	_ =	sdelay $0x2  }
0xbf: {  	s31 =	sshll.u32 s1, $0xD;
	s1 =	sshrl.u32 s1, $0x2  }
0xc0: {  	s3 =	sand.u32 $0x4000, s31;
	s1 =	sadd.s32 s1, s30  }
0xc1: {  	s0 =	sor.u32 s3, s0;
	s1 =	sshll.u32 s1, $0x11  }
0xc2: {  	s0 =	sor.u32 s1, s0  }
0xc3: {  	s0 =	sadd.s32 $0x8F2B, s0  }
0xc4: {  	[sflag:s0] =	ssyncadd.remote.s32 $0x1  }
0xc5: {  	_ =	sfence.sel $0xFFFF  }
0xc6: {  	[dreg:$0x0] =	wrdreg $0xFFFFFFFF;
	(pc) =	sbr.abs _section_cstart, $3  }
0xc7: {  	[dreg:$0x1] =	wrdreg $0xFFFFFFFF  }
0xc8: {  	_ =	task.clear_ibuf [dreg:s8], $0x2FFFF;
	_ =	strace $0x9FFFFFFF  }
0xc9: {  	(tm) =	ssettm $0x7FFFFFFF  }
tec
execute0_lowered:
.L_overlay_start_1:
0x0: {  	(tag) =	ssettag $0x1  }
0x1: {  	s4 =	rddreg [dreg:$0x0]  }
0x2: {  	s5 =	rddreg [dreg:$0x1]  }
0x3: {  	s1 =	srdreg.scid;
	s0 =	stileid.u32  }
0x4: {  	s6 =	rddreg [dreg:$0x2];
	s2 =	simm.s32 $0x0;
	s13 =	simm.s32 $0x1  }
0x5: {  	s14 =	simm.s32 $0xC80;
	s15 =	simm.s32 $0x1900;
	s16 =	simm.s32 $0x3100  }
0x6: {  	s17 =	simm.s32 $0x3D80;
	s18 =	simm.s32 $0x4A00;
	s19 =	simm.s32 $0x5680  }
0x7: {  	s20 =	simm.s32 $0x6300;
	s3 =	sand.u32 $0x1, s1;
	s7 =	sshll.u32 s0, $0x1  }
0x8: {  	s21 =	simm.s32 $0x6F80;
	s22 =	simm.s32 $0x0;
	s7 =	sor.u32 s3, s7  }
0x9: {  	[smem:$0x7FF] =	sst s2;
	s8 =	ssub.s32 $0x2, s3;
	s7 =	smul.u32 $0x188, s7  }
0xa: {  	s1 =	rddreg [dreg:$0x3];
	_ =	strace $0x80000047;
	s9 =	sshrl.u32 s8, $0x1  }
0xb: {  	s3 =	sadd.s32 $0x2200, s6;
	s12 =	ssub.s32 s8, s9;
	s11 =	sadd.s32 s7, s6  }
0xc: {  	s4 =	sadd.s32 s4, s7;
	s5 =	sadd.s32 s5, s7;
	s12 =	smax.u32 s12, $0x1  }
0xd: {  	s6 =	sadd.s32 $0x2600, s11;
	s7 =	sadd.s32 $0x5800, s11;
	s8 =	sadd.s32 $0x8A00, s11  }
0xe: {  	v0 =	vimm.f32 $0.0e+00;
	v1 =	vimm.s32 $0x0;
	s9 =	sadd.s32 $0xBC00, s11;
	s10 =	sadd.s32 $0xEE00, s11;
	s11 =	sadd.s32 $0x12000, s11  }
.LBB2_1:
0xf: {  	[tilespmem:s2], [sflag:$0x1] =	stream.linear.gather [hbm4b:s4+s2], $0xC40, $0x38;
	[tilespmem:$0x7C00] =	vst v63  }
0x10: {  	_ =	swait.ge [sflag:s13], $0xC40  }
0x11: {  	[sflag:s13] =	ssyncset.done $0x0  }
0x12: {  	[sflag:s13] =	ssyncadd.s32 $0xFFFFF3C0  }
0x13: {  	[tilespmem:s14], [sflag:$0x1] =	stream.linear.gather [hbm4b:s5+s2], $0xC40, $0x38;
	[tilespmem:$0x7C00] =	vst v63  }
0x14: {  	_ =	swait.ge [sflag:s13], $0xC40  }
0x15: {  	[sflag:s13] =	ssyncset.done $0x0  }
0x16: {  	[sflag:s13] =	ssyncadd.s32 $0xFFFFF3C0  }
0x17: {  	[tilespmem:s15], [sflag:$0x1] =	stream.linear.gather [hbm4b:s3+s2], $0x1800, $0x38;
	[tilespmem:$0x7C00] =	vst v63  }
0x18: {  	_ =	swait.ge [sflag:s13], $0x1800  }
0x19: {  	[sflag:s13] =	ssyncset.done $0x0  }
0x1a: {  	s24 =	simm.s32 $0x0;
	[sflag:s13] =	ssyncadd.s32 $0xFFFFE800  }
0x1b: {  	v9 =	vld [tilespmem:s24+$0xC80]  }
0x1c: {  	v8 =	vld [tilespmem:s24+$0x0];
	_ =	sdelay $0x3  }
0x1d: {  	v3 =	vadd.f32 $1.000000000e+00, v9  }
0x1e: {  	v2 =	vadd.f32 $1.000000000e+00, v8  }
0x1f: {  	v3 =	vmul.f32 $2.350000000e+01, v3  }
0x20: {  	v4 =	vmul.f32 $2.350000000e+01, v2  }
0x21: {  	v5 =	vtrunc.f32 v3  }
0x22: {  	v2 =	vtrunc.f32 v4;
	v5 =	vcvt.f32.s32 v5  }
0x23: {  	v2 =	vcvt.f32.s32 v2  }
0x24: {  	vm1 =	vgt.s32 v5, $0x0  }
0x25: {  	vm0 =	vgt.s32 v2, $0x0;
	v5 =	vnsel vm1, $0x0, v5  }
0x26: {  	v2 =	vnsel vm0, $0x0, v2;
	v5 =	vmin.u32 v5, $0x2E  }
0x27: {  	s23 =	simm.s32 $0x10;
	v6 =	vmin.u32 v2, $0x2E;
	v10 =	vcvt.s32.f32 v5  }
0x28: {  	v2 =	vld [tilespmem:s23+$0x0];
	v7 =	vcvt.s32.f32 v6  }
0x29: {  	v11 =	vsub.f32 v3, v10;
	v3 =	vld [tilespmem:s23+$0xC80]  }
0x2a: {  	v4 =	vsub.f32 v4, v7;
	_ =	sdelay $0x1  }
0x2b: {  	v13 =	vshll.u32 v5, $0x7;
	v7 =	vmul.f32 $4.255319010e-02, v7;
	v4 =	vadd.f32 v11, v4  }
0x2c: {  	v16 =	vor.u32 v6, v13;
	v10 =	vmul.f32 $4.255319010e-02, v10;
	v11 =	vadd.f32 $1.000000000e+00, v2  }
0x2d: {  	v7 =	vadd.f32 $-1.000000000e+00, v7;
	vm0 =	vle.f32 v4, $1.000000000e+00;
	v12 =	vadd.f32 $1.000000000e+00, v3  }
0x2e: {  	v10 =	vadd.f32 $-1.000000000e+00, v10;
	v11 =	vmul.f32 $2.350000000e+01, v11;
	vm0 =	vmneg vm0  }
0x2f: {  	v15 =	vsub.f32 v8, v7;
	v4 =	vsel vm0, $0x3F800000, v0;
	v12 =	vmul.f32 $2.350000000e+01, v12  }
0x30: {  	v19 =	vadd.f32 $4.255319010e-02, v7;
	v18 =	vtrunc.f32 v11;
	v14 =	vmul.f32 $4.255319010e-02, v4  }
0x31: {  	v21 =	vadd.f32 $4.255319010e-02, v10;
	v18 =	vcvt.f32.s32 v18;
	v20 =	vtrunc.f32 v12  }
0x32: {  	v17 =	vsel vm0, $0x1, v1;
	v25 =	vadd.f32 v14, v7;
	v7 =	vcvt.f32.s32 v20  }
0x33: {  	v19 =	vsub.f32 v8, v19;
	v5 =	vadd.s32 v17, v5;
	vm1 =	vgt.s32 v18, $0x0  }
0x34: {  	v26 =	vadd.f32 v14, v10;
	v14 =	vnsel vm1, $0x0, v18;
	vm1 =	vgt.s32 v7, $0x0  }
0x35: {  	v18 =	vshll.u32 v5, $0x7;
	v5 =	vmin.u32 v14, $0x2E;
	v7 =	vnsel vm1, $0x0, v7  }
0x36: {  	v10 =	vsub.f32 v9, v10;
	v20 =	vcvt.s32.f32 v5;
	v14 =	vmin.u32 v7, $0x2E  }
0x37: {  	v27 =	vsub.f32 v9, v21;
	v7 =	vadd.s32 v17, v6;
	v17 =	vcvt.s32.f32 v14  }
0x38: {  	v23 =	vmul.f32 v10, v15;
	v6 =	vor.u32 v18, v6;
	v11 =	vsub.f32 v11, v20  }
0x39: {  	v29 =	vor.u32 v13, v7;
	v7 =	vadd.s32 $0x1, v6;
	v12 =	vsub.f32 v12, v17  }
0x3a: {  	v24 =	vmul.f32 v19, v10;
	v31 =	vsub.f32 v9, v26;
	v28 =	vadd.s32 $0x41, v6  }
0x3b: {  	v25 =	vsub.f32 v8, v25;
	v13 =	vadd.s32 $0x40, v29;
	v6 =	vadd.f32 v12, v11  }
0x3c: {  	vm1 =	vmmov vm0;
	v18 =	vmul.f32 $4.255319010e-02, v20;
	v12 =	vadd.s32 $0xC0, v16  }
0x3d: {  	v21 =	vmul.f32 $4.255319010e-02, v17;
	v16 =	vadd.s32 $0x80, v16;
	vm0 =	vle.f32 v6, $1.000000000e+00  }
0x3e: {  	v15 =	vmul.f32 v31, v15;
	v20 =	vmul.f32 v27, v19;
	v17 =	vld.idx.msk [tilespmem:v7+s15+$0x0], $0xffff;
	vm0 =	vmneg vm0  }
0x3f: {  	v30 =	vadd.f32 $-1.000000000e+00, v18;
	v7 =	vadd.f32 $-1.000000000e+00, v21;
	v21 =	vld.idx.msk [tilespmem:v28+s15+$0x0], $0xffff;
	v11 =	vsel vm0, $0x3F800000, v0  }
0x40: {  	v27 =	vmul.f32 v25, v27;
	v10 =	vshll.u32 v14, $0x7;
	v19 =	vld.idx.msk [tilespmem:v13+s15+$0x0], $0xffff;
	v28 =	vmul.f32 $4.255319010e-02, v11  }
0x41: {  	v22 =	vsub.f32 v2, v30;
	v6 =	vor.u32 v5, v10;
	v18 =	vld.idx.msk [tilespmem:v12+s15+$0x0], $0xffff;
	v12 =	vadd.f32 $4.255319010e-02, v30  }
0x42: {  	v13 =	vadd.f32 $4.255319010e-02, v7;
	v26 =	vsel vm0, $0x1, v1;
	v16 =	vld.idx.msk [tilespmem:v16+s15+$0x0], $0xffff;
	v8 =	vadd.f32 v28, v30  }
0x43: {  	s25 =	simm.s32 $0x80;
	v9 =	vadd.f32 v28, v7;
	v12 =	vsub.f32 v2, v12;
	v28 =	vmul.f32 v31, v25;
	v25 =	vld.idx.msk [tilespmem:v29+s15+$0x0], $0xffff  }
.LBB2_2:
0x44: {  	s26 =	sshra.s32 s25, $0x2;
	p0 =	sne.s32 s25, $0x30C0;
	s25 =	sadd.s32 $0x40, s25;
	v29 =	vadd.s32 v26, v5;
	v14 =	vadd.s32 v26, v14;
	v20 =	vsub.f32 v20, v15;
	v15 =	vmovc v22  }
0x45: {  	v26 =	vld [tilespmem:s26+$0x0];
	v22 =	vshll.u32 v14, $0x7;
	v14 =	vsub.f32 v27, v23;
	v23 =	vsub.f32 v28, v24  }
0x46: {  	v24 =	vsub.f32 v21, v19;
	v28 =	vsub.f32 v18, v19;
	v27 =	vld [tilespmem:s26+$0xC80];
	v20 =	vand.u32 $0x7FFFFFFF, v20  }
0x47: {  	v20 =	vmul.f32 $5.000000000e-01, v20;
	v14 =	vand.u32 $0x7FFFFFFF, v14;
	v23 =	vand.u32 $0x7FFFFFFF, v23  }
0x48: {  	v30 =	vmul.f32 v4, v28;
	v28 =	vsel vm1, v24, v28;
	v14 =	vmul.f32 $5.000000000e-01, v14  }
0x49: {  	v23 =	vmul.f32 $5.000000000e-01, v23;
	v32 =	vsub.f32 v16, v25;
	v31 =	vmul.f32 v20, v25  }
0x4a: {  	v33 =	vadd.f32 $1.000000000e+00, v26;
	v34 =	vadd.f32 v14, v20;
	v35 =	vmul.f32 v14, v17  }
0x4b: {  	v19 =	vmul.f32 v20, v19;
	v17 =	vsub.f32 v17, v25;
	v36 =	vadd.f32 $1.000000000e+00, v27  }
0x4c: {  	v14 =	vmul.f32 v14, v21;
	v20 =	vmul.f32 $2.350000000e+01, v33;
	v25 =	vadd.f32 v34, v23  }
0x4d: {  	v31 =	vadd.f32 v35, v31;
	v33 =	vmul.f32 v4, v32;
	v4 =	vmovc v11;
	v21 =	vmul.f32 $2.350000000e+01, v36  }
0x4e: {  	v19 =	vadd.f32 v14, v19;
	v11 =	vtrunc.f32 v20;
	v25 =	vmax.f32 v25, $9.999999960e-13  }
0x4f: {  	v14 =	vsub.f32 v17, v33;
	v11 =	vcvt.f32.s32 v11;
	(erf) = vrcp.f32 v25  }
0x50: {  	v18 =	vmul.f32 v23, v18;
	v17 =	vsel vm1, v17, v32;
	v25 =	vtrunc.f32 v21  }
0x51: {  	v25 =	vcvt.f32.s32 v25;
	v14 =	vmul.f32 $2.350000000e+01, v14;
	vm1 =	vgt.s32 v11, $0x0  }
0x52: {  	v24 =	vsub.f32 v24, v30;
	v17 =	vmul.f32 $2.350000000e+01, v17;
	v11 =	vnsel vm1, $0x0, v11  }
0x53: {  	v28 =	vmul.f32 $2.350000000e+01, v28;
	vm1 =	vgt.s32 v25, $0x0;
	v11 =	vmin.u32 v11, $0x2E;
	[tilespmem:s24+$0x4A00] =	vst v14  }
0x54: {  	v14 =	vnsel vm1, $0x0, v25;
	v25 =	vcvt.s32.f32 v11;
	[tilespmem:s24+$0x5680] =	vst v17;
	v17 =	vmul.f32 $2.350000000e+01, v24  }
0x55: {  	v22 =	vor.u32 v22, v5;
	v16 =	vmul.f32 v23, v16;
	v14 =	vmin.u32 v14, $0x2E;
	v5 =	vmovc v11;
	[tilespmem:s24+$0x6F80] =	vst v28  }
0x56: {  	v11 =	vsub.f32 v20, v25;
	v23 =	vmul.f32 $4.255319010e-02, v25;
	v25 =	vsub.f32 v3, v13;
	[tilespmem:s24+$0x6300] =	vst v17  }
0x57: {  	v16 =	vadd.f32 v31, v16;
	v13 =	vcvt.s32.f32 v14;
	v17 =	vadd.f32 v19, v18  }
0x58: {  	v29 =	vor.u32 v10, v29;
	v10 =	vadd.s32 $0x1, v22;
	v20 =	vmul.f32 v25, v12;
	v18 =	vpop (erf)  }
0x59: {  	v19 =	vsub.f32 v21, v13;
	v21 =	vadd.s32 $0x40, v29;
	v16 =	vmul.f32 v18, v16  }
0x5a: {  	v28 =	vadd.s32 $0x41, v22;
	v13 =	vmul.f32 $4.255319010e-02, v13;
	v17 =	vmul.f32 v18, v17  }
0x5b: {  	v7 =	vsub.f32 v3, v7;
	v18 =	vadd.s32 $0xC0, v6;
	v11 =	vadd.f32 v19, v11;
	[tilespmem:s24+$0x3100] =	vst v16  }
0x5c: {  	v30 =	vadd.s32 $0x80, v6;
	vm1 =	vmmov vm0;
	v16 =	vadd.f32 $-1.000000000e+00, v23;
	[tilespmem:s24+$0x3D80] =	vst v17;
	s24 =	smov.u32 s23;
	s23 =	smov.u32 s26  }
0x5d: {  	v24 =	vmul.f32 v12, v7;
	v23 =	vmul.f32 v7, v15;
	vm0 =	vle.f32 v11, $1.000000000e+00;
	v17 =	vld.idx.msk [tilespmem:v10+s15+$0x0], $0xffff  }
0x5e: {  	v7 =	vadd.f32 $-1.000000000e+00, v13;
	vm0 =	vmneg vm0;
	v10 =	vshll.u32 v14, $0x7;
	v19 =	vld.idx.msk [tilespmem:v21+s15+$0x0], $0xffff  }
.Ltmp0:
0x5f: {  	v22 =	vsub.f32 v26, v16;
	v11 =	vsel vm0, $0x3F800000, v0;
	v6 =	vor.u32 v5, v10;
	v21 =	vld.idx.msk [tilespmem:v28+s15+$0x0], $0xffff;
	(pc) =	sbr.rel @p0 .LBB2_2-.Ltmp0, $4  }
0x60: {  	v31 =	vsub.f32 v2, v8;
	v2 =	vmovc v26;
	v12 =	vmul.f32 $4.255319010e-02, v11;
	v28 =	vsub.f32 v3, v9;
	v18 =	vld.idx.msk [tilespmem:v18+s15+$0x0], $0xffff  }
0x61: {  	v32 =	vadd.f32 $4.255319010e-02, v16;
	v13 =	vadd.f32 $4.255319010e-02, v7;
	v26 =	vsel vm0, $0x1, v1;
	v3 =	vmovc v27  }
0x62: {  	v8 =	vadd.f32 v12, v16;
	v9 =	vadd.f32 v12, v7;
	v15 =	vmul.f32 v28, v15;
	v16 =	vld.idx.msk [tilespmem:v30+s15+$0x0], $0xffff  }
0x63: {  	v27 =	vmul.f32 v31, v25;
	v12 =	vsub.f32 v2, v32;
	v28 =	vmul.f32 v28, v31;
	v25 =	vld.idx.msk [tilespmem:v29+s15+$0x0], $0xffff  }
0x64: {  	_ = 	snop  }
0x65: {  	v15 =	vsub.f32 v20, v15;
	v53 =	vsub.f32 v27, v23;
	_ =	sdelay $0x1  }
0x66: {  	v54 =	vsub.f32 v28, v24;
	v15 =	vand.u32 $0x7FFFFFFF, v15;
	v20 =	vand.u32 $0x7FFFFFFF, v53  }
0x67: {  	v15 =	vmul.f32 $5.000000000e-01, v15;
	v20 =	vmul.f32 $5.000000000e-01, v20  }
0x68: {  	v23 =	vand.u32 $0x7FFFFFFF, v54  }
0x69: {  	v23 =	vmul.f32 $5.000000000e-01, v23;
	v55 =	vadd.f32 v20, v15  }
0x6a: {  	v56 =	vadd.s32 v26, v5;
	v29 =	vsub.f32 v21, v19;
	v13 =	vsub.f32 v3, v13  }
0x6b: {  	v14 =	vadd.s32 v26, v14;
	v7 =	vsub.f32 v3, v7;
	v24 =	vadd.f32 v55, v23  }
0x6c: {  	v3 =	vsub.f32 v3, v9;
	v2 =	vsub.f32 v2, v8;
	v42 =	vadd.s32 $0x80, v6  }
0x6d: {  	v57 =	vsub.f32 v18, v19;
	v36 =	vmul.f32 v13, v12;
	v24 =	vmax.f32 v24, $9.999999960e-13  }
0x6e: {  	v14 =	vshll.u32 v14, $0x7;
	v40 =	vmul.f32 v7, v22;
	(erf) = vrcp.f32 v24  }
0x6f: {  	v41 =	vmul.f32 v3, v22;
	v26 =	vsel vm1, v29, v57;
	v58 =	vsub.f32 v16, v25  }
0x70: {  	v38 =	vor.u32 v10, v56;
	v59 =	vmul.f32 v4, v57;
	v33 =	vmul.f32 $2.350000000e+01, v26  }
0x71: {  	v30 =	vsub.f32 v17, v25;
	v61 =	vmul.f32 v15, v25;
	v60 =	vmul.f32 v4, v58  }
0x72: {  	v10 =	vadd.s32 $0x40, v38;
	v62 =	vmul.f32 v20, v17;
	v15 =	vmul.f32 v15, v19  }
0x73: {  	v63 =	vmul.f32 v20, v21;
	v25 =	vmul.f32 v23, v18;
	v28 =	vsel vm1, v30, v58  }
0x74: {  	v31 =	vmul.f32 v23, v16;
	v4 =	vsub.f32 v30, v60;
	v17 =	vadd.f32 v62, v61  }
0x75: {  	v32 =	vmul.f32 $2.350000000e+01, v28;
	v30 =	vsub.f32 v29, v59;
	v15 =	vadd.f32 v63, v15  }
0x76: {  	v13 =	vmul.f32 v2, v13;
	[tilespmem:s24+$0x6F80] =	vst v33;
	v4 =	vmul.f32 $2.350000000e+01, v4;
	v16 =	vadd.f32 v17, v31  }
0x77: {  	v7 =	vmul.f32 v12, v7;
	[tilespmem:s24+$0x5680] =	vst v32;
	v21 =	vmul.f32 $2.350000000e+01, v30;
	v35 =	vadd.f32 v15, v25;
	v37 =	vpop (erf)  }
0x78: {  	v34 =	vor.u32 v14, v5;
	v2 =	vmul.f32 v3, v2;
	[tilespmem:s24+$0x4A00] =	vst v4;
	v39 =	vmul.f32 v37, v16  }
0x79: {  	v3 =	vsub.f32 v36, v41;
	v9 =	vsub.f32 v13, v40;
	[tilespmem:s24+$0x6300] =	vst v21;
	v14 =	vmul.f32 v37, v35  }
0x7a: {  	v44 =	vadd.s32 $0xC0, v6;
	v43 =	vadd.s32 $0x1, v34;
	[tilespmem:s24+$0x3100] =	vst v39  }
0x7b: {  	v2 =	vsub.f32 v2, v7;
	v3 =	vand.u32 $0x7FFFFFFF, v3;
	v45 =	vand.u32 $0x7FFFFFFF, v9;
	[tilespmem:s24+$0x3D80] =	vst v14  }
0x7c: {  	v5 =	vadd.s32 $0x41, v34;
	v3 =	vmul.f32 $5.000000000e-01, v3;
	v7 =	vmul.f32 $5.000000000e-01, v45;
	v8 =	vld.idx.msk [tilespmem:v10+s15+$0x0], $0xffff  }
0x7d: {  	v2 =	vand.u32 $0x7FFFFFFF, v2;
	v46 =	vld.idx.msk [tilespmem:v42+s15+$0x0], $0xffff  }
0x7e: {  	v2 =	vmul.f32 $5.000000000e-01, v2;
	v47 =	vadd.f32 v7, v3;
	v4 =	vld.idx.msk [tilespmem:v38+s15+$0x0], $0xffff  }
0x7f: {  	v6 =	vld.idx.msk [tilespmem:v44+s15+$0x0], $0xffff  }
0x80: {  	v12 =	vld.idx.msk [tilespmem:v43+s15+$0x0], $0xffff;
	v10 =	vadd.f32 v47, v2  }
0x81: {  	v5 =	vld.idx.msk [tilespmem:v5+s15+$0x0], $0xffff  }
0x82: {  	v10 =	vmax.f32 v10, $9.999999960e-13  }
0x83: {  	(erf) = vrcp.f32 v10  }
0x84: {  	vm0 =	vmmov vm0;
	v48 =	vsub.f32 v46, v4;
	v50 =	vmul.f32 v3, v4  }
0x85: {  	v49 =	vsub.f32 v6, v8;
	v51 =	vmul.f32 v7, v12;
	v3 =	vmul.f32 v3, v8  }
0x86: {  	v53 =	vsub.f32 v5, v8;
	v5 =	vmul.f32 v7, v5;
	v58 =	vmul.f32 v2, v46  }
0x87: {  	v4 =	vsub.f32 v12, v4;
	v52 =	vmul.f32 v11, v48;
	v54 =	vmul.f32 v11, v49  }
0x88: {  	v10 =	vsel vm0, v53, v49;
	v56 =	vadd.f32 v51, v50;
	v3 =	vadd.f32 v5, v3  }
0x89: {  	v60 =	vmul.f32 $2.350000000e+01, v10;
	v55 =	vsub.f32 v4, v52;
	v4 =	vsel vm0, v4, v48  }
0x8a: {  	v2 =	vmul.f32 v2, v6;
	v59 =	vsub.f32 v53, v54;
	v4 =	vmul.f32 $2.350000000e+01, v4  }
0x8b: {  	v61 =	vadd.f32 v56, v58;
	[tilespmem:s23+$0x6F80] =	vst v60;
	v57 =	vmul.f32 $2.350000000e+01, v55  }
0x8c: {  	v2 =	vadd.f32 v3, v2;
	v62 =	vmul.f32 $2.350000000e+01, v59;
	[tilespmem:s23+$0x5680] =	vst v4;
	v3 =	vpop (erf)  }
0x8d: {  	[tilespmem:s23+$0x4A00] =	vst v57;
	v63 =	vmul.f32 v3, v61  }
0x8e: {  	[tilespmem:s23+$0x6300] =	vst v62;
	v2 =	vmul.f32 v3, v2  }
0x8f: {  	[tilespmem:s23+$0x3100] =	vst v63  }
0x90: {  	[tilespmem:s23+$0x3D80] =	vst v2  }
0x91: {  	[hbm4b:s6+s2] =	stream.linear.scatter [tilespmem:s16], [sflag:$0x1], $0xC40, $0x38;
	[tilespmem:$0x7C00] =	vst v63  }
0x92: {  	_ =	swait.ge [sflag:s13], $0xC40  }
0x93: {  	[sflag:s13] =	ssyncset.done $0x0  }
0x94: {  	[sflag:s13] =	ssyncadd.s32 $0xFFFFF3C0  }
0x95: {  	[hbm4b:s7+s2] =	stream.linear.scatter [tilespmem:s17], [sflag:$0x1], $0xC40, $0x38;
	[tilespmem:$0x7C00] =	vst v63  }
0x96: {  	_ =	swait.ge [sflag:s13], $0xC40  }
0x97: {  	[sflag:s13] =	ssyncset.done $0x0  }
0x98: {  	[sflag:s13] =	ssyncadd.s32 $0xFFFFF3C0  }
0x99: {  	[hbm4b:s8+s2] =	stream.linear.scatter [tilespmem:s18], [sflag:$0x1], $0xC40, $0x38;
	[tilespmem:$0x7C00] =	vst v63  }
0x9a: {  	_ =	swait.ge [sflag:s13], $0xC40  }
0x9b: {  	[sflag:s13] =	ssyncset.done $0x0  }
0x9c: {  	[sflag:s13] =	ssyncadd.s32 $0xFFFFF3C0  }
0x9d: {  	[hbm4b:s9+s2] =	stream.linear.scatter [tilespmem:s19], [sflag:$0x1], $0xC40, $0x38;
	[tilespmem:$0x7C00] =	vst v63  }
0x9e: {  	_ =	swait.ge [sflag:s13], $0xC40  }
0x9f: {  	[sflag:s13] =	ssyncset.done $0x0  }
0xa0: {  	[sflag:s13] =	ssyncadd.s32 $0xFFFFF3C0  }
0xa1: {  	[hbm4b:s10+s2] =	stream.linear.scatter [tilespmem:s20], [sflag:$0x1], $0xC40, $0x38;
	[tilespmem:$0x7C00] =	vst v63  }
0xa2: {  	s22 =	sadd.s32 $0x1, s22;
	_ =	swait.ge [sflag:s13], $0xC40  }
0xa3: {  	p0 =	sne.s32 s22, s12;
	[sflag:s13] =	ssyncset.done $0x0  }
.Ltmp1:
0xa4: {  	[sflag:s13] =	ssyncadd.s32 $0xFFFFF3C0;
	(pc) =	sbr.rel @p0 .LBB2_1-.Ltmp1, $4  }
0xa5: {  	[hbm4b:s11+s2] =	stream.linear.scatter [tilespmem:s21], [sflag:$0x1], $0xC40, $0x38;
	[tilespmem:$0x7C00] =	vst v63  }
0xa6: {  	_ =	swait.ge [sflag:s13], $0xC40  }
0xa7: {  	[sflag:s13] =	ssyncset.done $0x0  }
0xa8: {  	[sflag:s13] =	ssyncadd.s32 $0xFFFFF3C0  }
0xa9: {  	_ =	sfence.sel $0x180000  }
0xaa: {  	[bflag:$0x0] =	sbarrier.arrive $0xFFFF  }
0xab: {  	p0 =	sne.s32 s0, $0x0;
	_ =	strace $0x90000047  }
0xac: {  	s0 =	sadd.s32 @!p0 $0x100000, s1;
	[bflag:$0x2] =	sbarrier.arrive $0xFFFF  }
0xad: {  	[sflag:s0] =	ssyncadd.tile.s32 @!p0 $0x1;
	_ =	shalt  }
.Lfunc_end2:
_tile_overlayer_lowered:
.L_overlay_start_2:
0xae: {  	(tag) =	ssettag $0x2  }
0xaf: {  	s0 =	rddreg [dreg:$0x0];
	s2 =	stileid.u32  }
0xb0: {  	s1 =	rddreg [dreg:$0x1];
	p0 =	sne.s32 s2, $0x0  }
0xb1: {  	s3 =	rddreg [dreg:$0x2];
	[bflag:$0x3] =	sbarrier.arrive $0xFFFF;
	s2 =	simm.s32 @!p0 $0x1C01  }
0xb2: {  	[timem:s3], [sflag:s2] =	dma.local @!p0 [hbm:s0], s1  }
0xb3: {  	s0 =	simm.s32 @!p0 $0x1  }
0xb4: {  	_ =	swait.ge @!p0 [sflag:s0], s1  }
0xb5: {  	s1 =	ssub.s32 @!p0 $0x0, s1;
	[sflag:s0] =	ssyncset.done @!p0 $0x0  }
0xb6: {  	[sflag:s0] =	ssyncadd.s32 @!p0 s1  }
0xb7: {  	[bflag:$0x3] =	sbarrier.arrive $0xFFFF  }
0xb8: {  	_ =	shalt  }

</sc_bundles>
